<compile_context>
chip_gen: v7x
topology: tpu7x:2x2x1
jax: 0.10.2.dev20260603
libtpu: 0.0.44.dev20260713+nightly
codegen_flags: <defaults>
</compile_context>

<pallas_src>
import jax
import jax.numpy as jnp
from jax import lax
from jax.experimental import pallas as pl
from jax.experimental.pallas import tpu as pltpu
from jax.experimental.pallas import tpu_sc as plsc

PROMPT_NUM = 50
HIDDEN_SIZE = 1024
BATCH = 1024

_PP = 2
_NSTEP = PROMPT_NUM // _PP
_NBUF = 4

_NW = 32
_MASK_PER_W = BATCH * PROMPT_NUM // _NW


def _tc_body(table_v, emb_hbm, staged, sems):
    handles = []
    for t in range(_NSTEP):
        s = t % _NBUF
        if t >= _NBUF:
            handles[t - _NBUF].wait()
        staged[s, ...] = jnp.broadcast_to(
            table_v[pl.ds(t * _PP, _PP), :][:, None, :],
            (_PP, BATCH, HIDDEN_SIZE),
        )
        h = pltpu.make_async_copy(
            staged.at[s], emb_hbm.at[pl.ds(t * _PP, _PP)], sems.at[s]
        )
        h.start()
        handles.append(h)
    for t in range(_NSTEP - _NBUF, _NSTEP):
        handles[t].wait()


def _tc_broadcast(prompt_table):
    return pl.pallas_call(
        _tc_body,
        out_shape=jax.ShapeDtypeStruct(
            (PROMPT_NUM, BATCH, HIDDEN_SIZE), jnp.float32
        ),
        in_specs=[pl.BlockSpec(memory_space=pltpu.VMEM)],
        out_specs=pl.BlockSpec(memory_space=pl.ANY),
        scratch_shapes=[
            pltpu.VMEM((_NBUF, _PP, BATCH, HIDDEN_SIZE), jnp.float32),
            pltpu.SemaphoreType.DMA((_NBUF,)),
        ],
    )(prompt_table)


def _sc_mask_body(mask_hbm, ones_v):
    wid = lax.axis_index("s") * 2 + lax.axis_index("c")

    def _fill(i, carry):
        ones_v[pl.ds(i * 16, 16)] = jnp.ones((16,), jnp.float32)
        return carry

    lax.fori_loop(0, _MASK_PER_W // 16, _fill, 0)
    pltpu.sync_copy(ones_v, mask_hbm.at[pl.ds(wid * _MASK_PER_W, _MASK_PER_W)])


def _sc_mask():
    mesh = plsc.VectorSubcoreMesh(core_axis_name="c", subcore_axis_name="s")
    return pl.kernel(
        _sc_mask_body,
        out_type=jax.ShapeDtypeStruct((BATCH * PROMPT_NUM,), jnp.float32),
        mesh=mesh,
        scratch_types=[pltpu.VMEM((_MASK_PER_W,), jnp.float32)],
    )()


def kernel(batch_size, prompt_table):
    emb_t = _tc_broadcast(prompt_table)
    emb = jnp.transpose(emb_t, (1, 0, 2))
    mask = _sc_mask().reshape(BATCH, PROMPT_NUM)
    return emb, mask

# --- scband reference (transcript-rebuilt; emitter-appended) ---
"""Pipeline reference for scband-code-prompt-44727789420999 (READ-ONLY COPY).

The authoritative reference and input builder live on the scoring server;
editing this copy changes nothing except your own understanding.
"""

import jax, jax.numpy as jnp
import numpy as np

PROMPT_NUM = 50
HIDDEN_SIZE = 1024


def setup_inputs(seed: int = 0) -> dict:
    key = jax.random.key(seed)
    k1, _ = jax.random.split(key)
    prompt_table = jax.random.normal(k1, (PROMPT_NUM, HIDDEN_SIZE), dtype=jnp.float32)
    return {"batch_size": 1024, "prompt_table": prompt_table}


def reference(batch_size, prompt_table):
    # emulate nn.Embedding lookup over arange(prompt_num)
    idx = jnp.arange(PROMPT_NUM, dtype=jnp.int32)
    emb = jnp.take(prompt_table, idx, axis=0)  # [prompt_num, hidden]
    # .repeat([batch_size, 1, 1]) in torch == tile along new leading batch dim
    bs = jnp.asarray(batch_size, dtype=jnp.float32)
    scale = bs / bs
    static_batch_size = 1024
    prompt_embeddings = jnp.tile(emb[None, :, :], (static_batch_size, 1, 1)) * scale  # [B, P, H]
    prompt_mask = jnp.ones((static_batch_size, PROMPT_NUM), dtype=jnp.float32) * scale
    return (prompt_embeddings, prompt_mask)

if __name__ == "__main__":
    import jax
    _d = setup_inputs()
    print(jax.jit(kernel)(*tuple(_d.values())))

</pallas_src>

<mosaic_0001>
#map = affine_map<(d0, d1) -> (0)>
module attributes {stable_mosaic.version = 14 : i64} {
  func.func @_sc_mask_body(%arg0: i32, %arg1: i32, %arg2: memref<51200xf32, #tpu.memory_space<hbm>>, %arg3: memref<1600xf32, #tpu.memory_space<vmem>>) attributes {dimension_semantics = [#tpu.dimension_semantics<core_parallel>, #tpu.dimension_semantics<subcore_parallel>], iteration_bounds = array<i64: 2, 16>, scalar_prefetch = 0 : i64, scratch_operands = 1 : i64, tpu.core_type = #tpu.core_type<sc_vector_subcore>, window_params = [{transform_indices = #map}]} {
    %mul3A = arith.constant 2 : i32
    %mul3A_0 = arith.muli %arg1, %mul3A : i32
    %add3A = arith.addi %mul3A_0, %arg0 : i32
    %scan3A = arith.constant 0 : i32
    %scan3A_1 = arith.constant 0 : i32
    %scan3A_2 = arith.constant 100 : i32
    %scan3A_3 = arith.addi %scan3A_1, %scan3A_2 : i32
    %scan3A_4 = arith.constant 1 : i32
    scf.for %scan3A_8 = %scan3A_1 to %scan3A_3 step %scan3A_4  : i32 {
      %broadcast_in_dim3A = arith.constant 1.000000e+00 : f32
      %broadcast_in_dim3A_9 = vector.broadcast %broadcast_in_dim3A : f32 to vector<16xf32>
      %mul3A_10 = arith.constant 16 : i32
      %mul3A_11 = arith.muli %scan3A_8, %mul3A_10 : i32
      %swap3A = arith.index_cast %mul3A_11 : i32 to index
      %swap3A_12 = tpu.vector_load %arg3[%swap3A] {strides = array<i32>} : memref<1600xf32, #tpu.memory_space<vmem>>, vector<16xf32>,
      %swap3A_13 = vector.shape_cast %swap3A_12 : vector<16xf32> to vector<16xf32>
      %swap3A_14 = vector.shape_cast %broadcast_in_dim3A_9 : vector<16xf32> to vector<16xf32>
      tpu.vector_store %arg3[%swap3A], %swap3A_14 {strides = array<i32>} : memref<1600xf32, #tpu.memory_space<vmem>>, vector<16xf32>,
    }
    %scan3A_5 = arith.constant 100 : i32
    %mul3A_6 = arith.constant 1600 : i32
    %mul3A_7 = arith.muli %add3A, %mul3A_6 : i32
    "tpu.region"() ({
      %run_scoped3A = tpu.sem_alloc : memref<!tpu.dma_semaphore, #tpu.memory_space<semaphore_mem>>
      %dma_start3A = tpu.memref_slice %arg2[%mul3A_7] : memref<51200xf32, #tpu.memory_space<hbm>> -> memref<1600xf32, #tpu.memory_space<hbm>>
      %dma_start3A_8 = tpu.memref_slice %arg2[%mul3A_7] : memref<51200xf32, #tpu.memory_space<hbm>> -> memref<1600xf32, #tpu.memory_space<hbm>>
      tpu.enqueue_dma source(%arg3 : memref<1600xf32, #tpu.memory_space<vmem>>) target(%dma_start3A_8 : memref<1600xf32, #tpu.memory_space<hbm>>) target_semaphore(%run_scoped3A : memref<!tpu.dma_semaphore, #tpu.memory_space<semaphore_mem>>)
      %dma_wait3A = tpu.memref_slice %arg2[%mul3A_7] : memref<51200xf32, #tpu.memory_space<hbm>> -> memref<1600xf32, #tpu.memory_space<hbm>>
      %dma_wait3A_9 = tpu.memref_slice %arg2[%mul3A_7] : memref<51200xf32, #tpu.memory_space<hbm>> -> memref<1600xf32, #tpu.memory_space<hbm>>
      tpu.wait_dma2 semaphore(%run_scoped3A : memref<!tpu.dma_semaphore, #tpu.memory_space<semaphore_mem>>) src(%arg3 : memref<1600xf32, #tpu.memory_space<vmem>>) dst(%dma_wait3A_9 : memref<1600xf32, #tpu.memory_space<hbm>>)
      tpu.yield
    }) : () -> ()
    return
  }
}

module attributes {stable_mosaic.version = 14 : i64} {
  func.func @_tc_body(%arg0: memref<50x1024xf32, #tpu.memory_space<vmem>>, %arg1: memref<50x1024x1024xf32, #tpu.memory_space<any>>, %arg2: memref<4x2x1024x1024xf32, #tpu.memory_space<vmem>>, %arg3: memref<4x!tpu.dma_semaphore, #tpu.memory_space<semaphore_mem>>) attributes {dimension_semantics = [], scalar_prefetch = 0 : i64, scratch_operands = 2 : i64, tpu.core_type = #tpu.core_type<tc>} {
    %get3A = arith.constant 0 : index
    %get3A_0 = arith.constant 0 : index
    %get3A_1 = vector.load %arg0[%get3A, %get3A_0] : memref<50x1024xf32, #tpu.memory_space<vmem>>, vector<2x1024xf32>
    %broadcast_in_dim3A = vector.shape_cast %get3A_1 : vector<2x1024xf32> to vector<2x1x1024xf32>
    %broadcast_in_dim3A_2 = vector.shape_cast %broadcast_in_dim3A : vector<2x1x1024xf32> to vector<2x1x1024xf32>
    %broadcast_in_dim3A_3 = vector.broadcast %broadcast_in_dim3A_2 : vector<2x1x1024xf32> to vector<2x1024x1024xf32>
    %swap3A = arith.constant 0 : index
    %swap3A_4 = arith.constant 0 : index
    %swap3A_5 = arith.constant 0 : index
    %swap3A_6 = arith.constant 0 : index
    %swap3A_7 = vector.load %arg2[%swap3A, %swap3A_4, %swap3A_5, %swap3A_6] : memref<4x2x1024x1024xf32, #tpu.memory_space<vmem>>, vector<1x2x1024x1024xf32>
    %swap3A_8 = vector.shape_cast %swap3A_7 : vector<1x2x1024x1024xf32> to vector<2x1024x1024xf32>
    %swap3A_9 = vector.shape_cast %broadcast_in_dim3A_3 : vector<2x1024x1024xf32> to vector<1x2x1024x1024xf32>
    tpu.vector_store %arg2[%swap3A, %swap3A_4, %swap3A_5, %swap3A_6], %swap3A_9 {strides = array<i32>} : memref<4x2x1024x1024xf32, #tpu.memory_space<vmem>>, vector<1x2x1024x1024xf32>,
    %dma_start3A = arith.constant 0 : i32
    %dma_start3A_10 = arith.constant 0 : i32
    %dma_start3A_11 = tpu.memref_slice %arg3[%dma_start3A_10] : memref<4x!tpu.dma_semaphore, #tpu.memory_space<semaphore_mem>> -> memref<1x!tpu.dma_semaphore, #tpu.memory_space<semaphore_mem>>
    %dma_start3A_12 = tpu.memref_squeeze %dma_start3A_11 : memref<1x!tpu.dma_semaphore, #tpu.memory_space<semaphore_mem>> -> memref<!tpu.dma_semaphore, #tpu.memory_space<semaphore_mem>>
    %dma_start3A_13 = arith.constant 0 : i32
    %dma_start3A_14 = arith.constant 0 : i32
    %dma_start3A_15 = arith.constant 0 : i32
    %dma_start3A_16 = tpu.memref_slice %arg1[%dma_start3A_13, %dma_start3A_14, %dma_start3A_15] : memref<50x1024x1024xf32, #tpu.memory_space<any>> -> memref<2x1024x1024xf32, #tpu.memory_space<any>>
    %dma_start3A_17 = arith.constant 0 : i32
    %dma_start3A_18 = arith.constant 0 : i32
    %dma_start3A_19 = arith.constant 0 : i32
    %dma_start3A_20 = tpu.memref_slice %arg2[%dma_start3A, %dma_start3A_17, %dma_start3A_18, %dma_start3A_19] : memref<4x2x1024x1024xf32, #tpu.memory_space<vmem>> -> memref<1x2x1024x1024xf32, #tpu.memory_space<vmem>>
    %dma_start3A_21 = tpu.memref_squeeze %dma_start3A_20 : memref<1x2x1024x1024xf32, #tpu.memory_space<vmem>> -> memref<2x1024x1024xf32, #tpu.memory_space<vmem>>
    tpu.enqueue_dma source(%dma_start3A_21 : memref<2x1024x1024xf32, #tpu.memory_space<vmem>>) target(%dma_start3A_16 : memref<2x1024x1024xf32, #tpu.memory_space<any>>) target_semaphore(%dma_start3A_12 : memref<!tpu.dma_semaphore, #tpu.memory_space<semaphore_mem>>)
    %get3A_22 = arith.constant 2 : index
    %get3A_23 = arith.constant 0 : index
    %get3A_24 = vector.load %arg0[%get3A_22, %get3A_23] : memref<50x1024xf32, #tpu.memory_space<vmem>>, vector<2x1024xf32>
    %broadcast_in_dim3A_25 = vector.shape_cast %get3A_24 : vector<2x1024xf32> to vector<2x1x1024xf32>
    %broadcast_in_dim3A_26 = vector.shape_cast %broadcast_in_dim3A_25 : vector<2x1x1024xf32> to vector<2x1x1024xf32>
    %broadcast_in_dim3A_27 = vector.broadcast %broadcast_in_dim3A_26 : vector<2x1x1024xf32> to vector<2x1024x1024xf32>
    %swap3A_28 = arith.constant 1 : index
    %swap3A_29 = arith.constant 0 : index
    %swap3A_30 = arith.constant 0 : index
    %swap3A_31 = arith.constant 0 : index
    %swap3A_32 = vector.load %arg2[%swap3A_28, %swap3A_29, %swap3A_30, %swap3A_31] : memref<4x2x1024x1024xf32, #tpu.memory_space<vmem>>, vector<1x2x1024x1024xf32>
    %swap3A_33 = vector.shape_cast %swap3A_32 : vector<1x2x1024x1024xf32> to vector<2x1024x1024xf32>
    %swap3A_34 = vector.shape_cast %broadcast_in_dim3A_27 : vector<2x1024x1024xf32> to vector<1x2x1024x1024xf32>
    tpu.vector_store %arg2[%swap3A_28, %swap3A_29, %swap3A_30, %swap3A_31], %swap3A_34 {strides = array<i32>} : memref<4x2x1024x1024xf32, #tpu.memory_space<vmem>>, vector<1x2x1024x1024xf32>,
    %dma_start3A_35 = arith.constant 1 : i32
    %dma_start3A_36 = arith.constant 1 : i32
    %dma_start3A_37 = tpu.memref_slice %arg3[%dma_start3A_36] : memref<4x!tpu.dma_semaphore, #tpu.memory_space<semaphore_mem>> -> memref<1x!tpu.dma_semaphore, #tpu.memory_space<semaphore_mem>>
    %dma_start3A_38 = tpu.memref_squeeze %dma_start3A_37 : memref<1x!tpu.dma_semaphore, #tpu.memory_space<semaphore_mem>> -> memref<!tpu.dma_semaphore, #tpu.memory_space<semaphore_mem>>
    %dma_start3A_39 = arith.constant 2 : i32
    %dma_start3A_40 = arith.constant 0 : i32
    %dma_start3A_41 = arith.constant 0 : i32
    %dma_start3A_42 = tpu.memref_slice %arg1[%dma_start3A_39, %dma_start3A_40, %dma_start3A_41] : memref<50x1024x1024xf32, #tpu.memory_space<any>> -> memref<2x1024x1024xf32, #tpu.memory_space<any>>
    %dma_start3A_43 = arith.constant 0 : i32
    %dma_start3A_44 = arith.constant 0 : i32
    %dma_start3A_45 = arith.constant 0 : i32
    %dma_start3A_46 = tpu.memref_slice %arg2[%dma_start3A_35, %dma_start3A_43, %dma_start3A_44, %dma_start3A_45] : memref<4x2x1024x1024xf32, #tpu.memory_space<vmem>> -> memref<1x2x1024x1024xf32, #tpu.memory_space<vmem>>
    %dma_start3A_47 = tpu.memref_squeeze %dma_start3A_46 : memref<1x2x1024x1024xf32, #tpu.memory_space<vmem>> -> memref<2x1024x1024xf32, #tpu.memory_space<vmem>>
    tpu.enqueue_dma source(%dma_start3A_47 : memref<2x1024x1024xf32, #tpu.memory_space<vmem>>) target(%dma_start3A_42 : memref<2x1024x1024xf32, #tpu.memory_space<any>>) target_semaphore(%dma_start3A_38 : memref<!tpu.dma_semaphore, #tpu.memory_space<semaphore_mem>>)
    %get3A_48 = arith.constant 4 : index
    %get3A_49 = arith.constant 0 : index
    %get3A_50 = vector.load %arg0[%get3A_48, %get3A_49] : memref<50x1024xf32, #tpu.memory_space<vmem>>, vector<2x1024xf32>
    %broadcast_in_dim3A_51 = vector.shape_cast %get3A_50 : vector<2x1024xf32> to vector<2x1x1024xf32>
    %broadcast_in_dim3A_52 = vector.shape_cast %broadcast_in_dim3A_51 : vector<2x1x1024xf32> to vector<2x1x1024xf32>
    %broadcast_in_dim3A_53 = vector.broadcast %broadcast_in_dim3A_52 : vector<2x1x1024xf32> to vector<2x1024x1024xf32>
    %swap3A_54 = arith.constant 2 : index
    %swap3A_55 = arith.constant 0 : index
    %swap3A_56 = arith.constant 0 : index
    %swap3A_57 = arith.constant 0 : index
    %swap3A_58 = vector.load %arg2[%swap3A_54, %swap3A_55, %swap3A_56, %swap3A_57] : memref<4x2x1024x1024xf32, #tpu.memory_space<vmem>>, vector<1x2x1024x1024xf32>
    %swap3A_59 = vector.shape_cast %swap3A_58 : vector<1x2x1024x1024xf32> to vector<2x1024x1024xf32>
    %swap3A_60 = vector.shape_cast %broadcast_in_dim3A_53 : vector<2x1024x1024xf32> to vector<1x2x1024x1024xf32>
    tpu.vector_store %arg2[%swap3A_54, %swap3A_55, %swap3A_56, %swap3A_57], %swap3A_60 {strides = array<i32>} : memref<4x2x1024x1024xf32, #tpu.memory_space<vmem>>, vector<1x2x1024x1024xf32>,
    %dma_start3A_61 = arith.constant 2 : i32
    %dma_start3A_62 = arith.constant 2 : i32
    %dma_start3A_63 = tpu.memref_slice %arg3[%dma_start3A_62] : memref<4x!tpu.dma_semaphore, #tpu.memory_space<semaphore_mem>> -> memref<1x!tpu.dma_semaphore, #tpu.memory_space<semaphore_mem>>
    %dma_start3A_64 = tpu.memref_squeeze %dma_start3A_63 : memref<1x!tpu.dma_semaphore, #tpu.memory_space<semaphore_mem>> -> memref<!tpu.dma_semaphore, #tpu.memory_space<semaphore_mem>>
    %dma_start3A_65 = arith.constant 4 : i32
    %dma_start3A_66 = arith.constant 0 : i32
    %dma_start3A_67 = arith.constant 0 : i32
    %dma_start3A_68 = tpu.memref_slice %arg1[%dma_start3A_65, %dma_start3A_66, %dma_start3A_67] : memref<50x1024x1024xf32, #tpu.memory_space<any>> -> memref<2x1024x1024xf32, #tpu.memory_space<any>>
    %dma_start3A_69 = arith.constant 0 : i32
    %dma_start3A_70 = arith.constant 0 : i32
    %dma_start3A_71 = arith.constant 0 : i32
    %dma_start3A_72 = tpu.memref_slice %arg2[%dma_start3A_61, %dma_start3A_69, %dma_start3A_70, %dma_start3A_71] : memref<4x2x1024x1024xf32, #tpu.memory_space<vmem>> -> memref<1x2x1024x1024xf32, #tpu.memory_space<vmem>>
    %dma_start3A_73 = tpu.memref_squeeze %dma_start3A_72 : memref<1x2x1024x1024xf32, #tpu.memory_space<vmem>> -> memref<2x1024x1024xf32, #tpu.memory_space<vmem>>
    tpu.enqueue_dma source(%dma_start3A_73 : memref<2x1024x1024xf32, #tpu.memory_space<vmem>>) target(%dma_start3A_68 : memref<2x1024x1024xf32, #tpu.memory_space<any>>) target_semaphore(%dma_start3A_64 : memref<!tpu.dma_semaphore, #tpu.memory_space<semaphore_mem>>)
    %get3A_74 = arith.constant 6 : index
    %get3A_75 = arith.constant 0 : index
    %get3A_76 = vector.load %arg0[%get3A_74, %get3A_75] : memref<50x1024xf32, #tpu.memory_space<vmem>>, vector<2x1024xf32>
    %broadcast_in_dim3A_77 = vector.shape_cast %get3A_76 : vector<2x1024xf32> to vector<2x1x1024xf32>
    %broadcast_in_dim3A_78 = vector.shape_cast %broadcast_in_dim3A_77 : vector<2x1x1024xf32> to vector<2x1x1024xf32>
    %broadcast_in_dim3A_79 = vector.broadcast %broadcast_in_dim3A_78 : vector<2x1x1024xf32> to vector<2x1024x1024xf32>
    %swap3A_80 = arith.constant 3 : index
    %swap3A_81 = arith.constant 0 : index
    %swap3A_82 = arith.constant 0 : index
    %swap3A_83 = arith.constant 0 : index
    %swap3A_84 = vector.load %arg2[%swap3A_80, %swap3A_81, %swap3A_82, %swap3A_83] : memref<4x2x1024x1024xf32, #tpu.memory_space<vmem>>, vector<1x2x1024x1024xf32>
    %swap3A_85 = vector.shape_cast %swap3A_84 : vector<1x2x1024x1024xf32> to vector<2x1024x1024xf32>
    %swap3A_86 = vector.shape_cast %broadcast_in_dim3A_79 : vector<2x1024x1024xf32> to vector<1x2x1024x1024xf32>
    tpu.vector_store %arg2[%swap3A_80, %swap3A_81, %swap3A_82, %swap3A_83], %swap3A_86 {strides = array<i32>} : memref<4x2x1024x1024xf32, #tpu.memory_space<vmem>>, vector<1x2x1024x1024xf32>,
    %dma_start3A_87 = arith.constant 3 : i32
    %dma_start3A_88 = arith.constant 3 : i32
    %dma_start3A_89 = tpu.memref_slice %arg3[%dma_start3A_88] : memref<4x!tpu.dma_semaphore, #tpu.memory_space<semaphore_mem>> -> memref<1x!tpu.dma_semaphore, #tpu.memory_space<semaphore_mem>>
    %dma_start3A_90 = tpu.memref_squeeze %dma_start3A_89 : memref<1x!tpu.dma_semaphore, #tpu.memory_space<semaphore_mem>> -> memref<!tpu.dma_semaphore, #tpu.memory_space<semaphore_mem>>
    %dma_start3A_91 = arith.constant 6 : i32
    %dma_start3A_92 = arith.constant 0 : i32
    %dma_start3A_93 = arith.constant 0 : i32
    %dma_start3A_94 = tpu.memref_slice %arg1[%dma_start3A_91, %dma_start3A_92, %dma_start3A_93] : memref<50x1024x1024xf32, #tpu.memory_space<any>> -> memref<2x1024x1024xf32, #tpu.memory_space<any>>
    %dma_start3A_95 = arith.constant 0 : i32
    %dma_start3A_96 = arith.constant 0 : i32
    %dma_start3A_97 = arith.constant 0 : i32
    %dma_start3A_98 = tpu.memref_slice %arg2[%dma_start3A_87, %dma_start3A_95, %dma_start3A_96, %dma_start3A_97] : memref<4x2x1024x1024xf32, #tpu.memory_space<vmem>> -> memref<1x2x1024x1024xf32, #tpu.memory_space<vmem>>
    %dma_start3A_99 = tpu.memref_squeeze %dma_start3A_98 : memref<1x2x1024x1024xf32, #tpu.memory_space<vmem>> -> memref<2x1024x1024xf32, #tpu.memory_space<vmem>>
    tpu.enqueue_dma source(%dma_start3A_99 : memref<2x1024x1024xf32, #tpu.memory_space<vmem>>) target(%dma_start3A_94 : memref<2x1024x1024xf32, #tpu.memory_space<any>>) target_semaphore(%dma_start3A_90 : memref<!tpu.dma_semaphore, #tpu.memory_space<semaphore_mem>>)
    %dma_wait3A = arith.constant 0 : i32
    %dma_wait3A_100 = arith.constant 0 : i32
    %dma_wait3A_101 = tpu.memref_slice %arg3[%dma_wait3A_100] : memref<4x!tpu.dma_semaphore, #tpu.memory_space<semaphore_mem>> -> memref<1x!tpu.dma_semaphore, #tpu.memory_space<semaphore_mem>>
    %dma_wait3A_102 = tpu.memref_squeeze %dma_wait3A_101 : memref<1x!tpu.dma_semaphore, #tpu.memory_space<semaphore_mem>> -> memref<!tpu.dma_semaphore, #tpu.memory_space<semaphore_mem>>
    %dma_wait3A_103 = arith.constant 0 : i32
    %dma_wait3A_104 = arith.constant 0 : i32
    %dma_wait3A_105 = arith.constant 0 : i32
    %dma_wait3A_106 = tpu.memref_slice %arg1[%dma_wait3A_103, %dma_wait3A_104, %dma_wait3A_105] : memref<50x1024x1024xf32, #tpu.memory_space<any>> -> memref<2x1024x1024xf32, #tpu.memory_space<any>>
    %dma_wait3A_107 = arith.constant 0 : i32
    %dma_wait3A_108 = arith.constant 0 : i32
    %dma_wait3A_109 = arith.constant 0 : i32
    %dma_wait3A_110 = tpu.memref_slice %arg2[%dma_wait3A, %dma_wait3A_107, %dma_wait3A_108, %dma_wait3A_109] : memref<4x2x1024x1024xf32, #tpu.memory_space<vmem>> -> memref<1x2x1024x1024xf32, #tpu.memory_space<vmem>>
    %dma_wait3A_111 = tpu.memref_squeeze %dma_wait3A_110 : memref<1x2x1024x1024xf32, #tpu.memory_space<vmem>> -> memref<2x1024x1024xf32, #tpu.memory_space<vmem>>
    tpu.wait_dma2 semaphore(%dma_wait3A_102 : memref<!tpu.dma_semaphore, #tpu.memory_space<semaphore_mem>>) src(%dma_wait3A_111 : memref<2x1024x1024xf32, #tpu.memory_space<vmem>>) dst(%dma_wait3A_106 : memref<2x1024x1024xf32, #tpu.memory_space<any>>)
    %get3A_112 = arith.constant 8 : index
    %get3A_113 = arith.constant 0 : index
    %get3A_114 = vector.load %arg0[%get3A_112, %get3A_113] : memref<50x1024xf32, #tpu.memory_space<vmem>>, vector<2x1024xf32>
    %broadcast_in_dim3A_115 = vector.shape_cast %get3A_114 : vector<2x1024xf32> to vector<2x1x1024xf32>
    %broadcast_in_dim3A_116 = vector.shape_cast %broadcast_in_dim3A_115 : vector<2x1x1024xf32> to vector<2x1x1024xf32>
    %broadcast_in_dim3A_117 = vector.broadcast %broadcast_in_dim3A_116 : vector<2x1x1024xf32> to vector<2x1024x1024xf32>
    %swap3A_118 = arith.constant 0 : index
    %swap3A_119 = arith.constant 0 : index
    %swap3A_120 = arith.constant 0 : index
    %swap3A_121 = arith.constant 0 : index
    %swap3A_122 = vector.load %arg2[%swap3A_118, %swap3A_119, %swap3A_120, %swap3A_121] : memref<4x2x1024x1024xf32, #tpu.memory_space<vmem>>, vector<1x2x1024x1024xf32>
    %swap3A_123 = vector.shape_cast %swap3A_122 : vector<1x2x1024x1024xf32> to vector<2x1024x1024xf32>
    %swap3A_124 = vector.shape_cast %broadcast_in_dim3A_117 : vector<2x1024x1024xf32> to vector<1x2x1024x1024xf32>
    tpu.vector_store %arg2[%swap3A_118, %swap3A_119, %swap3A_120, %swap3A_121], %swap3A_124 {strides = array<i32>} : memref<4x2x1024x1024xf32, #tpu.memory_space<vmem>>, vector<1x2x1024x1024xf32>,
    %dma_start3A_125 = arith.constant 0 : i32
    %dma_start3A_126 = arith.constant 0 : i32
    %dma_start3A_127 = tpu.memref_slice %arg3[%dma_start3A_126] : memref<4x!tpu.dma_semaphore, #tpu.memory_space<semaphore_mem>> -> memref<1x!tpu.dma_semaphore, #tpu.memory_space<semaphore_mem>>
    %dma_start3A_128 = tpu.memref_squeeze %dma_start3A_127 : memref<1x!tpu.dma_semaphore, #tpu.memory_space<semaphore_mem>> -> memref<!tpu.dma_semaphore, #tpu.memory_space<semaphore_mem>>
    %dma_start3A_129 = arith.constant 8 : i32
    %dma_start3A_130 = arith.constant 0 : i32
    %dma_start3A_131 = arith.constant 0 : i32
    %dma_start3A_132 = tpu.memref_slice %arg1[%dma_start3A_129, %dma_start3A_130, %dma_start3A_131] : memref<50x1024x1024xf32, #tpu.memory_space<any>> -> memref<2x1024x1024xf32, #tpu.memory_space<any>>
    %dma_start3A_133 = arith.constant 0 : i32
    %dma_start3A_134 = arith.constant 0 : i32
    %dma_start3A_135 = arith.constant 0 : i32
    %dma_start3A_136 = tpu.memref_slice %arg2[%dma_start3A_125, %dma_start3A_133, %dma_start3A_134, %dma_start3A_135] : memref<4x2x1024x1024xf32, #tpu.memory_space<vmem>> -> memref<1x2x1024x1024xf32, #tpu.memory_space<vmem>>
    %dma_start3A_137 = tpu.memref_squeeze %dma_start3A_136 : memref<1x2x1024x1024xf32, #tpu.memory_space<vmem>> -> memref<2x1024x1024xf32, #tpu.memory_space<vmem>>
    tpu.enqueue_dma source(%dma_start3A_137 : memref<2x1024x1024xf32, #tpu.memory_space<vmem>>) target(%dma_start3A_132 : memref<2x1024x1024xf32, #tpu.memory_space<any>>) target_semaphore(%dma_start3A_128 : memref<!tpu.dma_semaphore, #tpu.memory_space<semaphore_mem>>)
    %dma_wait3A_138 = arith.constant 1 : i32
    %dma_wait3A_139 = arith.constant 1 : i32
    %dma_wait3A_140 = tpu.memref_slice %arg3[%dma_wait3A_139] : memref<4x!tpu.dma_semaphore, #tpu.memory_space<semaphore_mem>> -> memref<1x!tpu.dma_semaphore, #tpu.memory_space<semaphore_mem>>
    %dma_wait3A_141 = tpu.memref_squeeze %dma_wait3A_140 : memref<1x!tpu.dma_semaphore, #tpu.memory_space<semaphore_mem>> -> memref<!tpu.dma_semaphore, #tpu.memory_space<semaphore_mem>>
    %dma_wait3A_142 = arith.constant 2 : i32
    %dma_wait3A_143 = arith.constant 0 : i32
    %dma_wait3A_144 = arith.constant 0 : i32
    %dma_wait3A_145 = tpu.memref_slice %arg1[%dma_wait3A_142, %dma_wait3A_143, %dma_wait3A_144] : memref<50x1024x1024xf32, #tpu.memory_space<any>> -> memref<2x1024x1024xf32, #tpu.memory_space<any>>
    %dma_wait3A_146 = arith.constant 0 : i32
    %dma_wait3A_147 = arith.constant 0 : i32
    %dma_wait3A_148 = arith.constant 0 : i32
    %dma_wait3A_149 = tpu.memref_slice %arg2[%dma_wait3A_138, %dma_wait3A_146, %dma_wait3A_147, %dma_wait3A_148] : memref<4x2x1024x1024xf32, #tpu.memory_space<vmem>> -> memref<1x2x1024x1024xf32, #tpu.memory_space<vmem>>
    %dma_wait3A_150 = tpu.memref_squeeze %dma_wait3A_149 : memref<1x2x1024x1024xf32, #tpu.memory_space<vmem>> -> memref<2x1024x1024xf32, #tpu.memory_space<vmem>>
    tpu.wait_dma2 semaphore(%dma_wait3A_141 : memref<!tpu.dma_semaphore, #tpu.memory_space<semaphore_mem>>) src(%dma_wait3A_150 : memref<2x1024x1024xf32, #tpu.memory_space<vmem>>) dst(%dma_wait3A_145 : memref<2x1024x1024xf32, #tpu.memory_space<any>>)
    %get3A_151 = arith.constant 10 : index
    %get3A_152 = arith.constant 0 : index
    %get3A_153 = vector.load %arg0[%get3A_151, %get3A_152] : memref<50x1024xf32, #tpu.memory_space<vmem>>, vector<2x1024xf32>
    %broadcast_in_dim3A_154 = vector.shape_cast %get3A_153 : vector<2x1024xf32> to vector<2x1x1024xf32>
    %broadcast_in_dim3A_155 = vector.shape_cast %broadcast_in_dim3A_154 : vector<2x1x1024xf32> to vector<2x1x1024xf32>
    %broadcast_in_dim3A_156 = vector.broadcast %broadcast_in_dim3A_155 : vector<2x1x1024xf32> to vector<2x1024x1024xf32>
    %swap3A_157 = arith.constant 1 : index
    %swap3A_158 = arith.constant 0 : index
    %swap3A_159 = arith.constant 0 : index
    %swap3A_160 = arith.constant 0 : index
    %swap3A_161 = vector.load %arg2[%swap3A_157, %swap3A_158, %swap3A_159, %swap3A_160] : memref<4x2x1024x1024xf32, #tpu.memory_space<vmem>>, vector<1x2x1024x1024xf32>
    %swap3A_162 = vector.shape_cast %swap3A_161 : vector<1x2x1024x1024xf32> to vector<2x1024x1024xf32>
    %swap3A_163 = vector.shape_cast %broadcast_in_dim3A_156 : vector<2x1024x1024xf32> to vector<1x2x1024x1024xf32>
    tpu.vector_store %arg2[%swap3A_157, %swap3A_158, %swap3A_159, %swap3A_160], %swap3A_163 {strides = array<i32>} : memref<4x2x1024x1024xf32, #tpu.memory_space<vmem>>, vector<1x2x1024x1024xf32>,
    %dma_start3A_164 = arith.constant 1 : i32
    %dma_start3A_165 = arith.constant 1 : i32
    %dma_start3A_166 = tpu.memref_slice %arg3[%dma_start3A_165] : memref<4x!tpu.dma_semaphore, #tpu.memory_space<semaphore_mem>> -> memref<1x!tpu.dma_semaphore, #tpu.memory_space<semaphore_mem>>
    %dma_start3A_167 = tpu.memref_squeeze %dma_start3A_166 : memref<1x!tpu.dma_semaphore, #tpu.memory_space<semaphore_mem>> -> memref<!tpu.dma_semaphore, #tpu.memory_space<semaphore_mem>>
    %dma_start3A_168 = arith.constant 10 : i32
    %dma_start3A_169 = arith.constant 0 : i32
    %dma_start3A_170 = arith.constant 0 : i32
    %dma_start3A_171 = tpu.memref_slice %arg1[%dma_start3A_168, %dma_start3A_169, %dma_start3A_170] : memref<50x1024x1024xf32, #tpu.memory_space<any>> -> memref<2x1024x1024xf32, #tpu.memory_space<any>>
    %dma_start3A_172 = arith.constant 0 : i32
    %dma_start3A_173 = arith.constant 0 : i32
    %dma_start3A_174 = arith.constant 0 : i32
    %dma_start3A_175 = tpu.memref_slice %arg2[%dma_start3A_164, %dma_start3A_172, %dma_start3A_173, %dma_start3A_174] : memref<4x2x1024x1024xf32, #tpu.memory_space<vmem>> -> memref<1x2x1024x1024xf32, #tpu.memory_space<vmem>>
    %dma_start3A_176 = tpu.memref_squeeze %dma_start3A_175 : memref<1x2x1024x1024xf32, #tpu.memory_space<vmem>> -> memref<2x1024x1024xf32, #tpu.memory_space<vmem>>
    tpu.enqueue_dma source(%dma_start3A_176 : memref<2x1024x1024xf32, #tpu.memory_space<vmem>>) target(%dma_start3A_171 : memref<2x1024x1024xf32, #tpu.memory_space<any>>) target_semaphore(%dma_start3A_167 : memref<!tpu.dma_semaphore, #tpu.memory_space<semaphore_mem>>)
    %dma_wait3A_177 = arith.constant 2 : i32
    %dma_wait3A_178 = arith.constant 2 : i32
    %dma_wait3A_179 = tpu.memref_slice %arg3[%dma_wait3A_178] : memref<4x!tpu.dma_semaphore, #tpu.memory_space<semaphore_mem>> -> memref<1x!tpu.dma_semaphore, #tpu.memory_space<semaphore_mem>>
    %dma_wait3A_180 = tpu.memref_squeeze %dma_wait3A_179 : memref<1x!tpu.dma_semaphore, #tpu.memory_space<semaphore_mem>> -> memref<!tpu.dma_semaphore, #tpu.memory_space<semaphore_mem>>
    %dma_wait3A_181 = arith.constant 4 : i32
    %dma_wait3A_182 = arith.constant 0 : i32
    %dma_wait3A_183 = arith.constant 0 : i32
    %dma_wait3A_184 = tpu.memref_slice %arg1[%dma_wait3A_181, %dma_wait3A_182, %dma_wait3A_183] : memref<50x1024x1024xf32, #tpu.memory_space<any>> -> memref<2x1024x1024xf32, #tpu.memory_space<any>>
    %dma_wait3A_185 = arith.constant 0 : i32
    %dma_wait3A_186 = arith.constant 0 : i32
    %dma_wait3A_187 = arith.constant 0 : i32
    %dma_wait3A_188 = tpu.memref_slice %arg2[%dma_wait3A_177, %dma_wait3A_185, %dma_wait3A_186, %dma_wait3A_187] : memref<4x2x1024x1024xf32, #tpu.memory_space<vmem>> -> memref<1x2x1024x1024xf32, #tpu.memory_space<vmem>>
    %dma_wait3A_189 = tpu.memref_squeeze %dma_wait3A_188 : memref<1x2x1024x1024xf32, #tpu.memory_space<vmem>> -> memref<2x1024x1024xf32, #tpu.memory_space<vmem>>
    tpu.wait_dma2 semaphore(%dma_wait3A_180 : memref<!tpu.dma_semaphore, #tpu.memory_space<semaphore_mem>>) src(%dma_wait3A_189 : memref<2x1024x1024xf32, #tpu.memory_space<vmem>>) dst(%dma_wait3A_184 : memref<2x1024x1024xf32, #tpu.memory_space<any>>)
    %get3A_190 = arith.constant 12 : index
    %get3A_191 = arith.constant 0 : index
    %get3A_192 = vector.load %arg0[%get3A_190, %get3A_191] : memref<50x1024xf32, #tpu.memory_space<vmem>>, vector<2x1024xf32>
    %broadcast_in_dim3A_193 = vector.shape_cast %get3A_192 : vector<2x1024xf32> to vector<2x1x1024xf32>
    %broadcast_in_dim3A_194 = vector.shape_cast %broadcast_in_dim3A_193 : vector<2x1x1024xf32> to vector<2x1x1024xf32>
    %broadcast_in_dim3A_195 = vector.broadcast %broadcast_in_dim3A_194 : vector<2x1x1024xf32> to vector<2x1024x1024xf32>
    %swap3A_196 = arith.constant 2 : index
    %swap3A_197 = arith.constant 0 : index
    %swap3A_198 = arith.constant 0 : index
    %swap3A_199 = arith.constant 0 : index
    %swap3A_200 = vector.load %arg2[%swap3A_196, %swap3A_197, %swap3A_198, %swap3A_199] : memref<4x2x1024x1024xf32, #tpu.memory_space<vmem>>, vector<1x2x1024x1024xf32>
    %swap3A_201 = vector.shape_cast %swap3A_200 : vector<1x2x1024x1024xf32> to vector<2x1024x1024xf32>
    %swap3A_202 = vector.shape_cast %broadcast_in_dim3A_195 : vector<2x1024x1024xf32> to vector<1x2x1024x1024xf32>
    tpu.vector_store %arg2[%swap3A_196, %swap3A_197, %swap3A_198, %swap3A_199], %swap3A_202 {strides = array<i32>} : memref<4x2x1024x1024xf32, #tpu.memory_space<vmem>>, vector<1x2x1024x1024xf32>,
    %dma_start3A_203 = arith.constant 2 : i32
    %dma_start3A_204 = arith.constant 2 : i32
    %dma_start3A_205 = tpu.memref_slice %arg3[%dma_start3A_204] : memref<4x!tpu.dma_semaphore, #tpu.memory_space<semaphore_mem>> -> memref<1x!tpu.dma_semaphore, #tpu.memory_space<semaphore_mem>>
    %dma_start3A_206 = tpu.memref_squeeze %dma_start3A_205 : memref<1x!tpu.dma_semaphore, #tpu.memory_space<semaphore_mem>> -> memref<!tpu.dma_semaphore, #tpu.memory_space<semaphore_mem>>
    %dma_start3A_207 = arith.constant 12 : i32
    %dma_start3A_208 = arith.constant 0 : i32
    %dma_start3A_209 = arith.constant 0 : i32
    %dma_start3A_210 = tpu.memref_slice %arg1[%dma_start3A_207, %dma_start3A_208, %dma_start3A_209] : memref<50x1024x1024xf32, #tpu.memory_space<any>> -> memref<2x1024x1024xf32, #tpu.memory_space<any>>
    %dma_start3A_211 = arith.constant 0 : i32
    %dma_start3A_212 = arith.constant 0 : i32
    %dma_start3A_213 = arith.constant 0 : i32
    %dma_start3A_214 = tpu.memref_slice %arg2[%dma_start3A_203, %dma_start3A_211, %dma_start3A_212, %dma_start3A_213] : memref<4x2x1024x1024xf32, #tpu.memory_space<vmem>> -> memref<1x2x1024x1024xf32, #tpu.memory_space<vmem>>
    %dma_start3A_215 = tpu.memref_squeeze %dma_start3A_214 : memref<1x2x1024x1024xf32, #tpu.memory_space<vmem>> -> memref<2x1024x1024xf32, #tpu.memory_space<vmem>>
    tpu.enqueue_dma source(%dma_start3A_215 : memref<2x1024x1024xf32, #tpu.memory_space<vmem>>) target(%dma_start3A_210 : memref<2x1024x1024xf32, #tpu.memory_space<any>>) target_semaphore(%dma_start3A_206 : memref<!tpu.dma_semaphore, #tpu.memory_space<semaphore_mem>>)
    %dma_wait3A_216 = arith.constant 3 : i32
    %dma_wait3A_217 = arith.constant 3 : i32
    %dma_wait3A_218 = tpu.memref_slice %arg3[%dma_wait3A_217] : memref<4x!tpu.dma_semaphore, #tpu.memory_space<semaphore_mem>> -> memref<1x!tpu.dma_semaphore, #tpu.memory_space<semaphore_mem>>
    %dma_wait3A_219 = tpu.memref_squeeze %dma_wait3A_218 : memref<1x!tpu.dma_semaphore, #tpu.memory_space<semaphore_mem>> -> memref<!tpu.dma_semaphore, #tpu.memory_space<semaphore_mem>>
    %dma_wait3A_220 = arith.constant 6 : i32
    %dma_wait3A_221 = arith.constant 0 : i32
    %dma_wait3A_222 = arith.constant 0 : i32
    %dma_wait3A_223 = tpu.memref_slice %arg1[%dma_wait3A_220, %dma_wait3A_221, %dma_wait3A_222] : memref<50x1024x1024xf32, #tpu.memory_space<any>> -> memref<2x1024x1024xf32, #tpu.memory_space<any>>
    %dma_wait3A_224 = arith.constant 0 : i32
    %dma_wait3A_225 = arith.constant 0 : i32
    %dma_wait3A_226 = arith.constant 0 : i32
    %dma_wait3A_227 = tpu.memref_slice %arg2[%dma_wait3A_216, %dma_wait3A_224, %dma_wait3A_225, %dma_wait3A_226] : memref<4x2x1024x1024xf32, #tpu.memory_space<vmem>> -> memref<1x2x1024x1024xf32, #tpu.memory_space<vmem>>
    %dma_wait3A_228 = tpu.memref_squeeze %dma_wait3A_227 : memref<1x2x1024x1024xf32, #tpu.memory_space<vmem>> -> memref<2x1024x1024xf32, #tpu.memory_space<vmem>>
    tpu.wait_dma2 semaphore(%dma_wait3A_219 : memref<!tpu.dma_semaphore, #tpu.memory_space<semaphore_mem>>) src(%dma_wait3A_228 : memref<2x1024x1024xf32, #tpu.memory_space<vmem>>) dst(%dma_wait3A_223 : memref<2x1024x1024xf32, #tpu.memory_space<any>>)
    %get3A_229 = arith.constant 14 : index
    %get3A_230 = arith.constant 0 : index
    %get3A_231 = vector.load %arg0[%get3A_229, %get3A_230] : memref<50x1024xf32, #tpu.memory_space<vmem>>, vector<2x1024xf32>
    %broadcast_in_dim3A_232 = vector.shape_cast %get3A_231 : vector<2x1024xf32> to vector<2x1x1024xf32>
    %broadcast_in_dim3A_233 = vector.shape_cast %broadcast_in_dim3A_232 : vector<2x1x1024xf32> to vector<2x1x1024xf32>
    %broadcast_in_dim3A_234 = vector.broadcast %broadcast_in_dim3A_233 : vector<2x1x1024xf32> to vector<2x1024x1024xf32>
    %swap3A_235 = arith.constant 3 : index
    %swap3A_236 = arith.constant 0 : index
    %swap3A_237 = arith.constant 0 : index
    %swap3A_238 = arith.constant 0 : index
    %swap3A_239 = vector.load %arg2[%swap3A_235, %swap3A_236, %swap3A_237, %swap3A_238] : memref<4x2x1024x1024xf32, #tpu.memory_space<vmem>>, vector<1x2x1024x1024xf32>
    %swap3A_240 = vector.shape_cast %swap3A_239 : vector<1x2x1024x1024xf32> to vector<2x1024x1024xf32>
    %swap3A_241 = vector.shape_cast %broadcast_in_dim3A_234 : vector<2x1024x1024xf32> to vector<1x2x1024x1024xf32>
    tpu.vector_store %arg2[%swap3A_235, %swap3A_236, %swap3A_237, %swap3A_238], %swap3A_241 {strides = array<i32>} : memref<4x2x1024x1024xf32, #tpu.memory_space<vmem>>, vector<1x2x1024x1024xf32>,
    %dma_start3A_242 = arith.constant 3 : i32
    %dma_start3A_243 = arith.constant 3 : i32
    %dma_start3A_244 = tpu.memref_slice %arg3[%dma_start3A_243] : memref<4x!tpu.dma_semaphore, #tpu.memory_space<semaphore_mem>> -> memref<1x!tpu.dma_semaphore, #tpu.memory_space<semaphore_mem>>
    %dma_start3A_245 = tpu.memref_squeeze %dma_start3A_244 : memref<1x!tpu.dma_semaphore, #tpu.memory_space<semaphore_mem>> -> memref<!tpu.dma_semaphore, #tpu.memory_space<semaphore_mem>>
    %dma_start3A_246 = arith.constant 14 : i32
    %dma_start3A_247 = arith.constant 0 : i32
    %dma_start3A_248 = arith.constant 0 : i32
    %dma_start3A_249 = tpu.memref_slice %arg1[%dma_start3A_246, %dma_start3A_247, %dma_start3A_248] : memref<50x1024x1024xf32, #tpu.memory_space<any>> -> memref<2x1024x1024xf32, #tpu.memory_space<any>>
    %dma_start3A_250 = arith.constant 0 : i32
    %dma_start3A_251 = arith.constant 0 : i32
    %dma_start3A_252 = arith.constant 0 : i32
    %dma_start3A_253 = tpu.memref_slice %arg2[%dma_start3A_242, %dma_start3A_250, %dma_start3A_251, %dma_start3A_252] : memref<4x2x1024x1024xf32, #tpu.memory_space<vmem>> -> memref<1x2x1024x1024xf32, #tpu.memory_space<vmem>>
    %dma_start3A_254 = tpu.memref_squeeze %dma_start3A_253 : memref<1x2x1024x1024xf32, #tpu.memory_space<vmem>> -> memref<2x1024x1024xf32, #tpu.memory_space<vmem>>
    tpu.enqueue_dma source(%dma_start3A_254 : memref<2x1024x1024xf32, #tpu.memory_space<vmem>>) target(%dma_start3A_249 : memref<2x1024x1024xf32, #tpu.memory_space<any>>) target_semaphore(%dma_start3A_245 : memref<!tpu.dma_semaphore, #tpu.memory_space<semaphore_mem>>)
    %dma_wait3A_255 = arith.constant 0 : i32
    %dma_wait3A_256 = arith.constant 0 : i32
    %dma_wait3A_257 = tpu.memref_slice %arg3[%dma_wait3A_256] : memref<4x!tpu.dma_semaphore, #tpu.memory_space<semaphore_mem>> -> memref<1x!tpu.dma_semaphore, #tpu.memory_space<semaphore_mem>>
    %dma_wait3A_258 = tpu.memref_squeeze %dma_wait3A_257 : memref<1x!tpu.dma_semaphore, #tpu.memory_space<semaphore_mem>> -> memref<!tpu.dma_semaphore, #tpu.memory_space<semaphore_mem>>
    %dma_wait3A_259 = arith.constant 8 : i32
    %dma_wait3A_260 = arith.constant 0 : i32
    %dma_wait3A_261 = arith.constant 0 : i32
    %dma_wait3A_262 = tpu.memref_slice %arg1[%dma_wait3A_259, %dma_wait3A_260, %dma_wait3A_261] : memref<50x1024x1024xf32, #tpu.memory_space<any>> -> memref<2x1024x1024xf32, #tpu.memory_space<any>>
    %dma_wait3A_263 = arith.constant 0 : i32
    %dma_wait3A_264 = arith.constant 0 : i32
    %dma_wait3A_265 = arith.constant 0 : i32
    %dma_wait3A_266 = tpu.memref_slice %arg2[%dma_wait3A_255, %dma_wait3A_263, %dma_wait3A_264, %dma_wait3A_265] : memref<4x2x1024x1024xf32, #tpu.memory_space<vmem>> -> memref<1x2x1024x1024xf32, #tpu.memory_space<vmem>>
    %dma_wait3A_267 = tpu.memref_squeeze %dma_wait3A_266 : memref<1x2x1024x1024xf32, #tpu.memory_space<vmem>> -> memref<2x1024x1024xf32, #tpu.memory_space<vmem>>
    tpu.wait_dma2 semaphore(%dma_wait3A_258 : memref<!tpu.dma_semaphore, #tpu.memory_space<semaphore_mem>>) src(%dma_wait3A_267 : memref<2x1024x1024xf32, #tpu.memory_space<vmem>>) dst(%dma_wait3A_262 : memref<2x1024x1024xf32, #tpu.memory_space<any>>)
    %get3A_268 = arith.constant 16 : index
    %get3A_269 = arith.constant 0 : index
    %get3A_270 = vector.load %arg0[%get3A_268, %get3A_269] : memref<50x1024xf32, #tpu.memory_space<vmem>>, vector<2x1024xf32>
    %broadcast_in_dim3A_271 = vector.shape_cast %get3A_270 : vector<2x1024xf32> to vector<2x1x1024xf32>
    %broadcast_in_dim3A_272 = vector.shape_cast %broadcast_in_dim3A_271 : vector<2x1x1024xf32> to vector<2x1x1024xf32>
    %broadcast_in_dim3A_273 = vector.broadcast %broadcast_in_dim3A_272 : vector<2x1x1024xf32> to vector<2x1024x1024xf32>
    %swap3A_274 = arith.constant 0 : index
    %swap3A_275 = arith.constant 0 : index
    %swap3A_276 = arith.constant 0 : index
    %swap3A_277 = arith.constant 0 : index
    %swap3A_278 = vector.load %arg2[%swap3A_274, %swap3A_275, %swap3A_276, %swap3A_277] : memref<4x2x1024x1024xf32, #tpu.memory_space<vmem>>, vector<1x2x1024x1024xf32>
    %swap3A_279 = vector.shape_cast %swap3A_278 : vector<1x2x1024x1024xf32> to vector<2x1024x1024xf32>
    %swap3A_280 = vector.shape_cast %broadcast_in_dim3A_273 : vector<2x1024x1024xf32> to vector<1x2x1024x1024xf32>
    tpu.vector_store %arg2[%swap3A_274, %swap3A_275, %swap3A_276, %swap3A_277], %swap3A_280 {strides = array<i32>} : memref<4x2x1024x1024xf32, #tpu.memory_space<vmem>>, vector<1x2x1024x1024xf32>,
    %dma_start3A_281 = arith.constant 0 : i32
    %dma_start3A_282 = arith.constant 0 : i32
    %dma_start3A_283 = tpu.memref_slice %arg3[%dma_start3A_282] : memref<4x!tpu.dma_semaphore, #tpu.memory_space<semaphore_mem>> -> memref<1x!tpu.dma_semaphore, #tpu.memory_space<semaphore_mem>>
    %dma_start3A_284 = tpu.memref_squeeze %dma_start3A_283 : memref<1x!tpu.dma_semaphore, #tpu.memory_space<semaphore_mem>> -> memref<!tpu.dma_semaphore, #tpu.memory_space<semaphore_mem>>
    %dma_start3A_285 = arith.constant 16 : i32
    %dma_start3A_286 = arith.constant 0 : i32
    %dma_start3A_287 = arith.constant 0 : i32
    %dma_start3A_288 = tpu.memref_slice %arg1[%dma_start3A_285, %dma_start3A_286, %dma_start3A_287] : memref<50x1024x1024xf32, #tpu.memory_space<any>> -> memref<2x1024x1024xf32, #tpu.memory_space<any>>
    %dma_start3A_289 = arith.constant 0 : i32
    %dma_start3A_290 = arith.constant 0 : i32
    %dma_start3A_291 = arith.constant 0 : i32
    %dma_start3A_292 = tpu.memref_slice %arg2[%dma_start3A_281, %dma_start3A_289, %dma_start3A_290, %dma_start3A_291] : memref<4x2x1024x1024xf32, #tpu.memory_space<vmem>> -> memref<1x2x1024x1024xf32, #tpu.memory_space<vmem>>
    %dma_start3A_293 = tpu.memref_squeeze %dma_start3A_292 : memref<1x2x1024x1024xf32, #tpu.memory_space<vmem>> -> memref<2x1024x1024xf32, #tpu.memory_space<vmem>>
    tpu.enqueue_dma source(%dma_start3A_293 : memref<2x1024x1024xf32, #tpu.memory_space<vmem>>) target(%dma_start3A_288 : memref<2x1024x1024xf32, #tpu.memory_space<any>>) target_semaphore(%dma_start3A_284 : memref<!tpu.dma_semaphore, #tpu.memory_space<semaphore_mem>>)
    %dma_wait3A_294 = arith.constant 1 : i32
    %dma_wait3A_295 = arith.constant 1 : i32
    %dma_wait3A_296 = tpu.memref_slice %arg3[%dma_wait3A_295] : memref<4x!tpu.dma_semaphore, #tpu.memory_space<semaphore_mem>> -> memref<1x!tpu.dma_semaphore, #tpu.memory_space<semaphore_mem>>
    %dma_wait3A_297 = tpu.memref_squeeze %dma_wait3A_296 : memref<1x!tpu.dma_semaphore, #tpu.memory_space<semaphore_mem>> -> memref<!tpu.dma_semaphore, #tpu.memory_space<semaphore_mem>>
    %dma_wait3A_298 = arith.constant 10 : i32
    %dma_wait3A_299 = arith.constant 0 : i32
    %dma_wait3A_300 = arith.constant 0 : i32
    %dma_wait3A_301 = tpu.memref_slice %arg1[%dma_wait3A_298, %dma_wait3A_299, %dma_wait3A_300] : memref<50x1024x1024xf32, #tpu.memory_space<any>> -> memref<2x1024x1024xf32, #tpu.memory_space<any>>
    %dma_wait3A_302 = arith.constant 0 : i32
    %dma_wait3A_303 = arith.constant 0 : i32
    %dma_wait3A_304 = arith.constant 0 : i32
    %dma_wait3A_305 = tpu.memref_slice %arg2[%dma_wait3A_294, %dma_wait3A_302, %dma_wait3A_303, %dma_wait3A_304] : memref<4x2x1024x1024xf32, #tpu.memory_space<vmem>> -> memref<1x2x1024x1024xf32, #tpu.memory_space<vmem>>
    %dma_wait3A_306 = tpu.memref_squeeze %dma_wait3A_305 : memref<1x2x1024x1024xf32, #tpu.memory_space<vmem>> -> memref<2x1024x1024xf32, #tpu.memory_space<vmem>>
    tpu.wait_dma2 semaphore(%dma_wait3A_297 : memref<!tpu.dma_semaphore, #tpu.memory_space<semaphore_mem>>) src(%dma_wait3A_306 : memref<2x1024x1024xf32, #tpu.memory_space<vmem>>) dst(%dma_wait3A_301 : memref<2x1024x1024xf32, #tpu.memory_space<any>>)
    %get3A_307 = arith.constant 18 : index
    %get3A_308 = arith.constant 0 : index
    %get3A_309 = vector.load %arg0[%get3A_307, %get3A_308] : memref<50x1024xf32, #tpu.memory_space<vmem>>, vector<2x1024xf32>
    %broadcast_in_dim3A_310 = vector.shape_cast %get3A_309 : vector<2x1024xf32> to vector<2x1x1024xf32>
    %broadcast_in_dim3A_311 = vector.shape_cast %broadcast_in_dim3A_310 : vector<2x1x1024xf32> to vector<2x1x1024xf32>
    %broadcast_in_dim3A_312 = vector.broadcast %broadcast_in_dim3A_311 : vector<2x1x1024xf32> to vector<2x1024x1024xf32>
    %swap3A_313 = arith.constant 1 : index
    %swap3A_314 = arith.constant 0 : index
    %swap3A_315 = arith.constant 0 : index
    %swap3A_316 = arith.constant 0 : index
    %swap3A_317 = vector.load %arg2[%swap3A_313, %swap3A_314, %swap3A_315, %swap3A_316] : memref<4x2x1024x1024xf32, #tpu.memory_space<vmem>>, vector<1x2x1024x1024xf32>
    %swap3A_318 = vector.shape_cast %swap3A_317 : vector<1x2x1024x1024xf32> to vector<2x1024x1024xf32>
    %swap3A_319 = vector.shape_cast %broadcast_in_dim3A_312 : vector<2x1024x1024xf32> to vector<1x2x1024x1024xf32>
    tpu.vector_store %arg2[%swap3A_313, %swap3A_314, %swap3A_315, %swap3A_316], %swap3A_319 {strides = array<i32>} : memref<4x2x1024x1024xf32, #tpu.memory_space<vmem>>, vector<1x2x1024x1024xf32>,
    %dma_start3A_320 = arith.constant 1 : i32
    %dma_start3A_321 = arith.constant 1 : i32
    %dma_start3A_322 = tpu.memref_slice %arg3[%dma_start3A_321] : memref<4x!tpu.dma_semaphore, #tpu.memory_space<semaphore_mem>> -> memref<1x!tpu.dma_semaphore, #tpu.memory_space<semaphore_mem>>
    %dma_start3A_323 = tpu.memref_squeeze %dma_start3A_322 : memref<1x!tpu.dma_semaphore, #tpu.memory_space<semaphore_mem>> -> memref<!tpu.dma_semaphore, #tpu.memory_space<semaphore_mem>>
    %dma_start3A_324 = arith.constant 18 : i32
    %dma_start3A_325 = arith.constant 0 : i32
    %dma_start3A_326 = arith.constant 0 : i32
    %dma_start3A_327 = tpu.memref_slice %arg1[%dma_start3A_324, %dma_start3A_325, %dma_start3A_326] : memref<50x1024x1024xf32, #tpu.memory_space<any>> -> memref<2x1024x1024xf32, #tpu.memory_space<any>>
    %dma_start3A_328 = arith.constant 0 : i32
    %dma_start3A_329 = arith.constant 0 : i32
    %dma_start3A_330 = arith.constant 0 : i32
    %dma_start3A_331 = tpu.memref_slice %arg2[%dma_start3A_320, %dma_start3A_328, %dma_start3A_329, %dma_start3A_330] : memref<4x2x1024x1024xf32, #tpu.memory_space<vmem>> -> memref<1x2x1024x1024xf32, #tpu.memory_space<vmem>>
    %dma_start3A_332 = tpu.memref_squeeze %dma_start3A_331 : memref<1x2x1024x1024xf32, #tpu.memory_space<vmem>> -> memref<2x1024x1024xf32, #tpu.memory_space<vmem>>
    tpu.enqueue_dma source(%dma_start3A_332 : memref<2x1024x1024xf32, #tpu.memory_space<vmem>>) target(%dma_start3A_327 : memref<2x1024x1024xf32, #tpu.memory_space<any>>) target_semaphore(%dma_start3A_323 : memref<!tpu.dma_semaphore, #tpu.memory_space<semaphore_mem>>)
    %dma_wait3A_333 = arith.constant 2 : i32
    %dma_wait3A_334 = arith.constant 2 : i32
    %dma_wait3A_335 = tpu.memref_slice %arg3[%dma_wait3A_334] : memref<4x!tpu.dma_semaphore, #tpu.memory_space<semaphore_mem>> -> memref<1x!tpu.dma_semaphore, #tpu.memory_space<semaphore_mem>>
    %dma_wait3A_336 = tpu.memref_squeeze %dma_wait3A_335 : memref<1x!tpu.dma_semaphore, #tpu.memory_space<semaphore_mem>> -> memref<!tpu.dma_semaphore, #tpu.memory_space<semaphore_mem>>
    %dma_wait3A_337 = arith.constant 12 : i32
    %dma_wait3A_338 = arith.constant 0 : i32
    %dma_wait3A_339 = arith.constant 0 : i32
    %dma_wait3A_340 = tpu.memref_slice %arg1[%dma_wait3A_337, %dma_wait3A_338, %dma_wait3A_339] : memref<50x1024x1024xf32, #tpu.memory_space<any>> -> memref<2x1024x1024xf32, #tpu.memory_space<any>>
    %dma_wait3A_341 = arith.constant 0 : i32
    %dma_wait3A_342 = arith.constant 0 : i32
    %dma_wait3A_343 = arith.constant 0 : i32
    %dma_wait3A_344 = tpu.memref_slice %arg2[%dma_wait3A_333, %dma_wait3A_341, %dma_wait3A_342, %dma_wait3A_343] : memref<4x2x1024x1024xf32, #tpu.memory_space<vmem>> -> memref<1x2x1024x1024xf32, #tpu.memory_space<vmem>>
    %dma_wait3A_345 = tpu.memref_squeeze %dma_wait3A_344 : memref<1x2x1024x1024xf32, #tpu.memory_space<vmem>> -> memref<2x1024x1024xf32, #tpu.memory_space<vmem>>
    tpu.wait_dma2 semaphore(%dma_wait3A_336 : memref<!tpu.dma_semaphore, #tpu.memory_space<semaphore_mem>>) src(%dma_wait3A_345 : memref<2x1024x1024xf32, #tpu.memory_space<vmem>>) dst(%dma_wait3A_340 : memref<2x1024x1024xf32, #tpu.memory_space<any>>)
    %get3A_346 = arith.constant 20 : index
    %get3A_347 = arith.constant 0 : index
    %get3A_348 = vector.load %arg0[%get3A_346, %get3A_347] : memref<50x1024xf32, #tpu.memory_space<vmem>>, vector<2x1024xf32>
    %broadcast_in_dim3A_349 = vector.shape_cast %get3A_348 : vector<2x1024xf32> to vector<2x1x1024xf32>
    %broadcast_in_dim3A_350 = vector.shape_cast %broadcast_in_dim3A_349 : vector<2x1x1024xf32> to vector<2x1x1024xf32>
    %broadcast_in_dim3A_351 = vector.broadcast %broadcast_in_dim3A_350 : vector<2x1x1024xf32> to vector<2x1024x1024xf32>
    %swap3A_352 = arith.constant 2 : index
    %swap3A_353 = arith.constant 0 : index
    %swap3A_354 = arith.constant 0 : index
    %swap3A_355 = arith.constant 0 : index
    %swap3A_356 = vector.load %arg2[%swap3A_352, %swap3A_353, %swap3A_354, %swap3A_355] : memref<4x2x1024x1024xf32, #tpu.memory_space<vmem>>, vector<1x2x1024x1024xf32>
    %swap3A_357 = vector.shape_cast %swap3A_356 : vector<1x2x1024x1024xf32> to vector<2x1024x1024xf32>
    %swap3A_358 = vector.shape_cast %broadcast_in_dim3A_351 : vector<2x1024x1024xf32> to vector<1x2x1024x1024xf32>
    tpu.vector_store %arg2[%swap3A_352, %swap3A_353, %swap3A_354, %swap3A_355], %swap3A_358 {strides = array<i32>} : memref<4x2x1024x1024xf32, #tpu.memory_space<vmem>>, vector<1x2x1024x1024xf32>,
    %dma_start3A_359 = arith.constant 2 : i32
    %dma_start3A_360 = arith.constant 2 : i32
    %dma_start3A_361 = tpu.memref_slice %arg3[%dma_start3A_360] : memref<4x!tpu.dma_semaphore, #tpu.memory_space<semaphore_mem>> -> memref<1x!tpu.dma_semaphore, #tpu.memory_space<semaphore_mem>>
    %dma_start3A_362 = tpu.memref_squeeze %dma_start3A_361 : memref<1x!tpu.dma_semaphore, #tpu.memory_space<semaphore_mem>> -> memref<!tpu.dma_semaphore, #tpu.memory_space<semaphore_mem>>
    %dma_start3A_363 = arith.constant 20 : i32
    %dma_start3A_364 = arith.constant 0 : i32
    %dma_start3A_365 = arith.constant 0 : i32
    %dma_start3A_366 = tpu.memref_slice %arg1[%dma_start3A_363, %dma_start3A_364, %dma_start3A_365] : memref<50x1024x1024xf32, #tpu.memory_space<any>> -> memref<2x1024x1024xf32, #tpu.memory_space<any>>
    %dma_start3A_367 = arith.constant 0 : i32
    %dma_start3A_368 = arith.constant 0 : i32
    %dma_start3A_369 = arith.constant 0 : i32
    %dma_start3A_370 = tpu.memref_slice %arg2[%dma_start3A_359, %dma_start3A_367, %dma_start3A_368, %dma_start3A_369] : memref<4x2x1024x1024xf32, #tpu.memory_space<vmem>> -> memref<1x2x1024x1024xf32, #tpu.memory_space<vmem>>
    %dma_start3A_371 = tpu.memref_squeeze %dma_start3A_370 : memref<1x2x1024x1024xf32, #tpu.memory_space<vmem>> -> memref<2x1024x1024xf32, #tpu.memory_space<vmem>>
    tpu.enqueue_dma source(%dma_start3A_371 : memref<2x1024x1024xf32, #tpu.memory_space<vmem>>) target(%dma_start3A_366 : memref<2x1024x1024xf32, #tpu.memory_space<any>>) target_semaphore(%dma_start3A_362 : memref<!tpu.dma_semaphore, #tpu.memory_space<semaphore_mem>>)
    %dma_wait3A_372 = arith.constant 3 : i32
    %dma_wait3A_373 = arith.constant 3 : i32
    %dma_wait3A_374 = tpu.memref_slice %arg3[%dma_wait3A_373] : memref<4x!tpu.dma_semaphore, #tpu.memory_space<semaphore_mem>> -> memref<1x!tpu.dma_semaphore, #tpu.memory_space<semaphore_mem>>
    %dma_wait3A_375 = tpu.memref_squeeze %dma_wait3A_374 : memref<1x!tpu.dma_semaphore, #tpu.memory_space<semaphore_mem>> -> memref<!tpu.dma_semaphore, #tpu.memory_space<semaphore_mem>>
    %dma_wait3A_376 = arith.constant 14 : i32
    %dma_wait3A_377 = arith.constant 0 : i32
    %dma_wait3A_378 = arith.constant 0 : i32
    %dma_wait3A_379 = tpu.memref_slice %arg1[%dma_wait3A_376, %dma_wait3A_377, %dma_wait3A_378] : memref<50x1024x1024xf32, #tpu.memory_space<any>> -> memref<2x1024x1024xf32, #tpu.memory_space<any>>
    %dma_wait3A_380 = arith.constant 0 : i32
    %dma_wait3A_381 = arith.constant 0 : i32
    %dma_wait3A_382 = arith.constant 0 : i32
    %dma_wait3A_383 = tpu.memref_slice %arg2[%dma_wait3A_372, %dma_wait3A_380, %dma_wait3A_381, %dma_wait3A_382] : memref<4x2x1024x1024xf32, #tpu.memory_space<vmem>> -> memref<1x2x1024x1024xf32, #tpu.memory_space<vmem>>
    %dma_wait3A_384 = tpu.memref_squeeze %dma_wait3A_383 : memref<1x2x1024x1024xf32, #tpu.memory_space<vmem>> -> memref<2x1024x1024xf32, #tpu.memory_space<vmem>>
    tpu.wait_dma2 semaphore(%dma_wait3A_375 : memref<!tpu.dma_semaphore, #tpu.memory_space<semaphore_mem>>) src(%dma_wait3A_384 : memref<2x1024x1024xf32, #tpu.memory_space<vmem>>) dst(%dma_wait3A_379 : memref<2x1024x1024xf32, #tpu.memory_space<any>>)
    %get3A_385 = arith.constant 22 : index
    %get3A_386 = arith.constant 0 : index
    %get3A_387 = vector.load %arg0[%get3A_385, %get3A_386] : memref<50x1024xf32, #tpu.memory_space<vmem>>, vector<2x1024xf32>
    %broadcast_in_dim3A_388 = vector.shape_cast %get3A_387 : vector<2x1024xf32> to vector<2x1x1024xf32>
    %broadcast_in_dim3A_389 = vector.shape_cast %broadcast_in_dim3A_388 : vector<2x1x1024xf32> to vector<2x1x1024xf32>
    %broadcast_in_dim3A_390 = vector.broadcast %broadcast_in_dim3A_389 : vector<2x1x1024xf32> to vector<2x1024x1024xf32>
    %swap3A_391 = arith.constant 3 : index
    %swap3A_392 = arith.constant 0 : index
    %swap3A_393 = arith.constant 0 : index
    %swap3A_394 = arith.constant 0 : index
    %swap3A_395 = vector.load %arg2[%swap3A_391, %swap3A_392, %swap3A_393, %swap3A_394] : memref<4x2x1024x1024xf32, #tpu.memory_space<vmem>>, vector<1x2x1024x1024xf32>
    %swap3A_396 = vector.shape_cast %swap3A_395 : vector<1x2x1024x1024xf32> to vector<2x1024x1024xf32>
    %swap3A_397 = vector.shape_cast %broadcast_in_dim3A_390 : vector<2x1024x1024xf32> to vector<1x2x1024x1024xf32>
    tpu.vector_store %arg2[%swap3A_391, %swap3A_392, %swap3A_393, %swap3A_394], %swap3A_397 {strides = array<i32>} : memref<4x2x1024x1024xf32, #tpu.memory_space<vmem>>, vector<1x2x1024x1024xf32>,
    %dma_start3A_398 = arith.constant 3 : i32
    %dma_start3A_399 = arith.constant 3 : i32
    %dma_start3A_400 = tpu.memref_slice %arg3[%dma_start3A_399] : memref<4x!tpu.dma_semaphore, #tpu.memory_space<semaphore_mem>> -> memref<1x!tpu.dma_semaphore, #tpu.memory_space<semaphore_mem>>
    %dma_start3A_401 = tpu.memref_squeeze %dma_start3A_400 : memref<1x!tpu.dma_semaphore, #tpu.memory_space<semaphore_mem>> -> memref<!tpu.dma_semaphore, #tpu.memory_space<semaphore_mem>>
    %dma_start3A_402 = arith.constant 22 : i32
    %dma_start3A_403 = arith.constant 0 : i32
    %dma_start3A_404 = arith.constant 0 : i32
    %dma_start3A_405 = tpu.memref_slice %arg1[%dma_start3A_402, %dma_start3A_403, %dma_start3A_404] : memref<50x1024x1024xf32, #tpu.memory_space<any>> -> memref<2x1024x1024xf32, #tpu.memory_space<any>>
    %dma_start3A_406 = arith.constant 0 : i32
    %dma_start3A_407 = arith.constant 0 : i32
    %dma_start3A_408 = arith.constant 0 : i32
    %dma_start3A_409 = tpu.memref_slice %arg2[%dma_start3A_398, %dma_start3A_406, %dma_start3A_407, %dma_start3A_408] : memref<4x2x1024x1024xf32, #tpu.memory_space<vmem>> -> memref<1x2x1024x1024xf32, #tpu.memory_space<vmem>>
    %dma_start3A_410 = tpu.memref_squeeze %dma_start3A_409 : memref<1x2x1024x1024xf32, #tpu.memory_space<vmem>> -> memref<2x1024x1024xf32, #tpu.memory_space<vmem>>
    tpu.enqueue_dma source(%dma_start3A_410 : memref<2x1024x1024xf32, #tpu.memory_space<vmem>>) target(%dma_start3A_405 : memref<2x1024x1024xf32, #tpu.memory_space<any>>) target_semaphore(%dma_start3A_401 : memref<!tpu.dma_semaphore, #tpu.memory_space<semaphore_mem>>)
    %dma_wait3A_411 = arith.constant 0 : i32
    %dma_wait3A_412 = arith.constant 0 : i32
    %dma_wait3A_413 = tpu.memref_slice %arg3[%dma_wait3A_412] : memref<4x!tpu.dma_semaphore, #tpu.memory_space<semaphore_mem>> -> memref<1x!tpu.dma_semaphore, #tpu.memory_space<semaphore_mem>>
    %dma_wait3A_414 = tpu.memref_squeeze %dma_wait3A_413 : memref<1x!tpu.dma_semaphore, #tpu.memory_space<semaphore_mem>> -> memref<!tpu.dma_semaphore, #tpu.memory_space<semaphore_mem>>
    %dma_wait3A_415 = arith.constant 16 : i32
    %dma_wait3A_416 = arith.constant 0 : i32
    %dma_wait3A_417 = arith.constant 0 : i32
    %dma_wait3A_418 = tpu.memref_slice %arg1[%dma_wait3A_415, %dma_wait3A_416, %dma_wait3A_417] : memref<50x1024x1024xf32, #tpu.memory_space<any>> -> memref<2x1024x1024xf32, #tpu.memory_space<any>>
    %dma_wait3A_419 = arith.constant 0 : i32
    %dma_wait3A_420 = arith.constant 0 : i32
    %dma_wait3A_421 = arith.constant 0 : i32
    %dma_wait3A_422 = tpu.memref_slice %arg2[%dma_wait3A_411, %dma_wait3A_419, %dma_wait3A_420, %dma_wait3A_421] : memref<4x2x1024x1024xf32, #tpu.memory_space<vmem>> -> memref<1x2x1024x1024xf32, #tpu.memory_space<vmem>>
    %dma_wait3A_423 = tpu.memref_squeeze %dma_wait3A_422 : memref<1x2x1024x1024xf32, #tpu.memory_space<vmem>> -> memref<2x1024x1024xf32, #tpu.memory_space<vmem>>
    tpu.wait_dma2 semaphore(%dma_wait3A_414 : memref<!tpu.dma_semaphore, #tpu.memory_space<semaphore_mem>>) src(%dma_wait3A_423 : memref<2x1024x1024xf32, #tpu.memory_space<vmem>>) dst(%dma_wait3A_418 : memref<2x1024x1024xf32, #tpu.memory_space<any>>)
    %get3A_424 = arith.constant 24 : index
    %get3A_425 = arith.constant 0 : index
    %get3A_426 = vector.load %arg0[%get3A_424, %get3A_425] : memref<50x1024xf32, #tpu.memory_space<vmem>>, vector<2x1024xf32>
    %broadcast_in_dim3A_427 = vector.shape_cast %get3A_426 : vector<2x1024xf32> to vector<2x1x1024xf32>
    %broadcast_in_dim3A_428 = vector.shape_cast %broadcast_in_dim3A_427 : vector<2x1x1024xf32> to vector<2x1x1024xf32>
    %broadcast_in_dim3A_429 = vector.broadcast %broadcast_in_dim3A_428 : vector<2x1x1024xf32> to vector<2x1024x1024xf32>
    %swap3A_430 = arith.constant 0 : index
    %swap3A_431 = arith.constant 0 : index
    %swap3A_432 = arith.constant 0 : index
    %swap3A_433 = arith.constant 0 : index
    %swap3A_434 = vector.load %arg2[%swap3A_430, %swap3A_431, %swap3A_432, %swap3A_433] : memref<4x2x1024x1024xf32, #tpu.memory_space<vmem>>, vector<1x2x1024x1024xf32>
    %swap3A_435 = vector.shape_cast %swap3A_434 : vector<1x2x1024x1024xf32> to vector<2x1024x1024xf32>
    %swap3A_436 = vector.shape_cast %broadcast_in_dim3A_429 : vector<2x1024x1024xf32> to vector<1x2x1024x1024xf32>
    tpu.vector_store %arg2[%swap3A_430, %swap3A_431, %swap3A_432, %swap3A_433], %swap3A_436 {strides = array<i32>} : memref<4x2x1024x1024xf32, #tpu.memory_space<vmem>>, vector<1x2x1024x1024xf32>,
    %dma_start3A_437 = arith.constant 0 : i32
    %dma_start3A_438 = arith.constant 0 : i32
    %dma_start3A_439 = tpu.memref_slice %arg3[%dma_start3A_438] : memref<4x!tpu.dma_semaphore, #tpu.memory_space<semaphore_mem>> -> memref<1x!tpu.dma_semaphore, #tpu.memory_space<semaphore_mem>>
    %dma_start3A_440 = tpu.memref_squeeze %dma_start3A_439 : memref<1x!tpu.dma_semaphore, #tpu.memory_space<semaphore_mem>> -> memref<!tpu.dma_semaphore, #tpu.memory_space<semaphore_mem>>
    %dma_start3A_441 = arith.constant 24 : i32
    %dma_start3A_442 = arith.constant 0 : i32
    %dma_start3A_443 = arith.constant 0 : i32
    %dma_start3A_444 = tpu.memref_slice %arg1[%dma_start3A_441, %dma_start3A_442, %dma_start3A_443] : memref<50x1024x1024xf32, #tpu.memory_space<any>> -> memref<2x1024x1024xf32, #tpu.memory_space<any>>
    %dma_start3A_445 = arith.constant 0 : i32
    %dma_start3A_446 = arith.constant 0 : i32
    %dma_start3A_447 = arith.constant 0 : i32
    %dma_start3A_448 = tpu.memref_slice %arg2[%dma_start3A_437, %dma_start3A_445, %dma_start3A_446, %dma_start3A_447] : memref<4x2x1024x1024xf32, #tpu.memory_space<vmem>> -> memref<1x2x1024x1024xf32, #tpu.memory_space<vmem>>
    %dma_start3A_449 = tpu.memref_squeeze %dma_start3A_448 : memref<1x2x1024x1024xf32, #tpu.memory_space<vmem>> -> memref<2x1024x1024xf32, #tpu.memory_space<vmem>>
    tpu.enqueue_dma source(%dma_start3A_449 : memref<2x1024x1024xf32, #tpu.memory_space<vmem>>) target(%dma_start3A_444 : memref<2x1024x1024xf32, #tpu.memory_space<any>>) target_semaphore(%dma_start3A_440 : memref<!tpu.dma_semaphore, #tpu.memory_space<semaphore_mem>>)
    %dma_wait3A_450 = arith.constant 1 : i32
    %dma_wait3A_451 = arith.constant 1 : i32
    %dma_wait3A_452 = tpu.memref_slice %arg3[%dma_wait3A_451] : memref<4x!tpu.dma_semaphore, #tpu.memory_space<semaphore_mem>> -> memref<1x!tpu.dma_semaphore, #tpu.memory_space<semaphore_mem>>
    %dma_wait3A_453 = tpu.memref_squeeze %dma_wait3A_452 : memref<1x!tpu.dma_semaphore, #tpu.memory_space<semaphore_mem>> -> memref<!tpu.dma_semaphore, #tpu.memory_space<semaphore_mem>>
    %dma_wait3A_454 = arith.constant 18 : i32
    %dma_wait3A_455 = arith.constant 0 : i32
    %dma_wait3A_456 = arith.constant 0 : i32
    %dma_wait3A_457 = tpu.memref_slice %arg1[%dma_wait3A_454, %dma_wait3A_455, %dma_wait3A_456] : memref<50x1024x1024xf32, #tpu.memory_space<any>> -> memref<2x1024x1024xf32, #tpu.memory_space<any>>
    %dma_wait3A_458 = arith.constant 0 : i32
    %dma_wait3A_459 = arith.constant 0 : i32
    %dma_wait3A_460 = arith.constant 0 : i32
    %dma_wait3A_461 = tpu.memref_slice %arg2[%dma_wait3A_450, %dma_wait3A_458, %dma_wait3A_459, %dma_wait3A_460] : memref<4x2x1024x1024xf32, #tpu.memory_space<vmem>> -> memref<1x2x1024x1024xf32, #tpu.memory_space<vmem>>
    %dma_wait3A_462 = tpu.memref_squeeze %dma_wait3A_461 : memref<1x2x1024x1024xf32, #tpu.memory_space<vmem>> -> memref<2x1024x1024xf32, #tpu.memory_space<vmem>>
    tpu.wait_dma2 semaphore(%dma_wait3A_453 : memref<!tpu.dma_semaphore, #tpu.memory_space<semaphore_mem>>) src(%dma_wait3A_462 : memref<2x1024x1024xf32, #tpu.memory_space<vmem>>) dst(%dma_wait3A_457 : memref<2x1024x1024xf32, #tpu.memory_space<any>>)
    %get3A_463 = arith.constant 26 : index
    %get3A_464 = arith.constant 0 : index
    %get3A_465 = vector.load %arg0[%get3A_463, %get3A_464] : memref<50x1024xf32, #tpu.memory_space<vmem>>, vector<2x1024xf32>
    %broadcast_in_dim3A_466 = vector.shape_cast %get3A_465 : vector<2x1024xf32> to vector<2x1x1024xf32>
    %broadcast_in_dim3A_467 = vector.shape_cast %broadcast_in_dim3A_466 : vector<2x1x1024xf32> to vector<2x1x1024xf32>
    %broadcast_in_dim3A_468 = vector.broadcast %broadcast_in_dim3A_467 : vector<2x1x1024xf32> to vector<2x1024x1024xf32>
    %swap3A_469 = arith.constant 1 : index
    %swap3A_470 = arith.constant 0 : index
    %swap3A_471 = arith.constant 0 : index
    %swap3A_472 = arith.constant 0 : index
    %swap3A_473 = vector.load %arg2[%swap3A_469, %swap3A_470, %swap3A_471, %swap3A_472] : memref<4x2x1024x1024xf32, #tpu.memory_space<vmem>>, vector<1x2x1024x1024xf32>
    %swap3A_474 = vector.shape_cast %swap3A_473 : vector<1x2x1024x1024xf32> to vector<2x1024x1024xf32>
    %swap3A_475 = vector.shape_cast %broadcast_in_dim3A_468 : vector<2x1024x1024xf32> to vector<1x2x1024x1024xf32>
    tpu.vector_store %arg2[%swap3A_469, %swap3A_470, %swap3A_471, %swap3A_472], %swap3A_475 {strides = array<i32>} : memref<4x2x1024x1024xf32, #tpu.memory_space<vmem>>, vector<1x2x1024x1024xf32>,
    %dma_start3A_476 = arith.constant 1 : i32
    %dma_start3A_477 = arith.constant 1 : i32
    %dma_start3A_478 = tpu.memref_slice %arg3[%dma_start3A_477] : memref<4x!tpu.dma_semaphore, #tpu.memory_space<semaphore_mem>> -> memref<1x!tpu.dma_semaphore, #tpu.memory_space<semaphore_mem>>
    %dma_start3A_479 = tpu.memref_squeeze %dma_start3A_478 : memref<1x!tpu.dma_semaphore, #tpu.memory_space<semaphore_mem>> -> memref<!tpu.dma_semaphore, #tpu.memory_space<semaphore_mem>>
    %dma_start3A_480 = arith.constant 26 : i32
    %dma_start3A_481 = arith.constant 0 : i32
    %dma_start3A_482 = arith.constant 0 : i32
    %dma_start3A_483 = tpu.memref_slice %arg1[%dma_start3A_480, %dma_start3A_481, %dma_start3A_482] : memref<50x1024x1024xf32, #tpu.memory_space<any>> -> memref<2x1024x1024xf32, #tpu.memory_space<any>>
    %dma_start3A_484 = arith.constant 0 : i32
    %dma_start3A_485 = arith.constant 0 : i32
    %dma_start3A_486 = arith.constant 0 : i32
    %dma_start3A_487 = tpu.memref_slice %arg2[%dma_start3A_476, %dma_start3A_484, %dma_start3A_485, %dma_start3A_486] : memref<4x2x1024x1024xf32, #tpu.memory_space<vmem>> -> memref<1x2x1024x1024xf32, #tpu.memory_space<vmem>>
    %dma_start3A_488 = tpu.memref_squeeze %dma_start3A_487 : memref<1x2x1024x1024xf32, #tpu.memory_space<vmem>> -> memref<2x1024x1024xf32, #tpu.memory_space<vmem>>
    tpu.enqueue_dma source(%dma_start3A_488 : memref<2x1024x1024xf32, #tpu.memory_space<vmem>>) target(%dma_start3A_483 : memref<2x1024x1024xf32, #tpu.memory_space<any>>) target_semaphore(%dma_start3A_479 : memref<!tpu.dma_semaphore, #tpu.memory_space<semaphore_mem>>)
    %dma_wait3A_489 = arith.constant 2 : i32
    %dma_wait3A_490 = arith.constant 2 : i32
    %dma_wait3A_491 = tpu.memref_slice %arg3[%dma_wait3A_490] : memref<4x!tpu.dma_semaphore, #tpu.memory_space<semaphore_mem>> -> memref<1x!tpu.dma_semaphore, #tpu.memory_space<semaphore_mem>>
    %dma_wait3A_492 = tpu.memref_squeeze %dma_wait3A_491 : memref<1x!tpu.dma_semaphore, #tpu.memory_space<semaphore_mem>> -> memref<!tpu.dma_semaphore, #tpu.memory_space<semaphore_mem>>
    %dma_wait3A_493 = arith.constant 20 : i32
    %dma_wait3A_494 = arith.constant 0 : i32
    %dma_wait3A_495 = arith.constant 0 : i32
    %dma_wait3A_496 = tpu.memref_slice %arg1[%dma_wait3A_493, %dma_wait3A_494, %dma_wait3A_495] : memref<50x1024x1024xf32, #tpu.memory_space<any>> -> memref<2x1024x1024xf32, #tpu.memory_space<any>>
    %dma_wait3A_497 = arith.constant 0 : i32
    %dma_wait3A_498 = arith.constant 0 : i32
    %dma_wait3A_499 = arith.constant 0 : i32
    %dma_wait3A_500 = tpu.memref_slice %arg2[%dma_wait3A_489, %dma_wait3A_497, %dma_wait3A_498, %dma_wait3A_499] : memref<4x2x1024x1024xf32, #tpu.memory_space<vmem>> -> memref<1x2x1024x1024xf32, #tpu.memory_space<vmem>>
    %dma_wait3A_501 = tpu.memref_squeeze %dma_wait3A_500 : memref<1x2x1024x1024xf32, #tpu.memory_space<vmem>> -> memref<2x1024x1024xf32, #tpu.memory_space<vmem>>
    tpu.wait_dma2 semaphore(%dma_wait3A_492 : memref<!tpu.dma_semaphore, #tpu.memory_space<semaphore_mem>>) src(%dma_wait3A_501 : memref<2x1024x1024xf32, #tpu.memory_space<vmem>>) dst(%dma_wait3A_496 : memref<2x1024x1024xf32, #tpu.memory_space<any>>)
    %get3A_502 = arith.constant 28 : index
    %get3A_503 = arith.constant 0 : index
    %get3A_504 = vector.load %arg0[%get3A_502, %get3A_503] : memref<50x1024xf32, #tpu.memory_space<vmem>>, vector<2x1024xf32>
    %broadcast_in_dim3A_505 = vector.shape_cast %get3A_504 : vector<2x1024xf32> to vector<2x1x1024xf32>
    %broadcast_in_dim3A_506 = vector.shape_cast %broadcast_in_dim3A_505 : vector<2x1x1024xf32> to vector<2x1x1024xf32>
    %broadcast_in_dim3A_507 = vector.broadcast %broadcast_in_dim3A_506 : vector<2x1x1024xf32> to vector<2x1024x1024xf32>
    %swap3A_508 = arith.constant 2 : index
    %swap3A_509 = arith.constant 0 : index
    %swap3A_510 = arith.constant 0 : index
    %swap3A_511 = arith.constant 0 : index
    %swap3A_512 = vector.load %arg2[%swap3A_508, %swap3A_509, %swap3A_510, %swap3A_511] : memref<4x2x1024x1024xf32, #tpu.memory_space<vmem>>, vector<1x2x1024x1024xf32>
    %swap3A_513 = vector.shape_cast %swap3A_512 : vector<1x2x1024x1024xf32> to vector<2x1024x1024xf32>
    %swap3A_514 = vector.shape_cast %broadcast_in_dim3A_507 : vector<2x1024x1024xf32> to vector<1x2x1024x1024xf32>
    tpu.vector_store %arg2[%swap3A_508, %swap3A_509, %swap3A_510, %swap3A_511], %swap3A_514 {strides = array<i32>} : memref<4x2x1024x1024xf32, #tpu.memory_space<vmem>>, vector<1x2x1024x1024xf32>,
    %dma_start3A_515 = arith.constant 2 : i32
    %dma_start3A_516 = arith.constant 2 : i32
    %dma_start3A_517 = tpu.memref_slice %arg3[%dma_start3A_516] : memref<4x!tpu.dma_semaphore, #tpu.memory_space<semaphore_mem>> -> memref<1x!tpu.dma_semaphore, #tpu.memory_space<semaphore_mem>>
    %dma_start3A_518 = tpu.memref_squeeze %dma_start3A_517 : memref<1x!tpu.dma_semaphore, #tpu.memory_space<semaphore_mem>> -> memref<!tpu.dma_semaphore, #tpu.memory_space<semaphore_mem>>
    %dma_start3A_519 = arith.constant 28 : i32
    %dma_start3A_520 = arith.constant 0 : i32
    %dma_start3A_521 = arith.constant 0 : i32
    %dma_start3A_522 = tpu.memref_slice %arg1[%dma_start3A_519, %dma_start3A_520, %dma_start3A_521] : memref<50x1024x1024xf32, #tpu.memory_space<any>> -> memref<2x1024x1024xf32, #tpu.memory_space<any>>
    %dma_start3A_523 = arith.constant 0 : i32
    %dma_start3A_524 = arith.constant 0 : i32
    %dma_start3A_525 = arith.constant 0 : i32
    %dma_start3A_526 = tpu.memref_slice %arg2[%dma_start3A_515, %dma_start3A_523, %dma_start3A_524, %dma_start3A_525] : memref<4x2x1024x1024xf32, #tpu.memory_space<vmem>> -> memref<1x2x1024x1024xf32, #tpu.memory_space<vmem>>
    %dma_start3A_527 = tpu.memref_squeeze %dma_start3A_526 : memref<1x2x1024x1024xf32, #tpu.memory_space<vmem>> -> memref<2x1024x1024xf32, #tpu.memory_space<vmem>>
    tpu.enqueue_dma source(%dma_start3A_527 : memref<2x1024x1024xf32, #tpu.memory_space<vmem>>) target(%dma_start3A_522 : memref<2x1024x1024xf32, #tpu.memory_space<any>>) target_semaphore(%dma_start3A_518 : memref<!tpu.dma_semaphore, #tpu.memory_space<semaphore_mem>>)
    %dma_wait3A_528 = arith.constant 3 : i32
    %dma_wait3A_529 = arith.constant 3 : i32
    %dma_wait3A_530 = tpu.memref_slice %arg3[%dma_wait3A_529] : memref<4x!tpu.dma_semaphore, #tpu.memory_space<semaphore_mem>> -> memref<1x!tpu.dma_semaphore, #tpu.memory_space<semaphore_mem>>
    %dma_wait3A_531 = tpu.memref_squeeze %dma_wait3A_530 : memref<1x!tpu.dma_semaphore, #tpu.memory_space<semaphore_mem>> -> memref<!tpu.dma_semaphore, #tpu.memory_space<semaphore_mem>>
    %dma_wait3A_532 = arith.constant 22 : i32
    %dma_wait3A_533 = arith.constant 0 : i32
    %dma_wait3A_534 = arith.constant 0 : i32
    %dma_wait3A_535 = tpu.memref_slice %arg1[%dma_wait3A_532, %dma_wait3A_533, %dma_wait3A_534] : memref<50x1024x1024xf32, #tpu.memory_space<any>> -> memref<2x1024x1024xf32, #tpu.memory_space<any>>
    %dma_wait3A_536 = arith.constant 0 : i32
    %dma_wait3A_537 = arith.constant 0 : i32
    %dma_wait3A_538 = arith.constant 0 : i32
    %dma_wait3A_539 = tpu.memref_slice %arg2[%dma_wait3A_528, %dma_wait3A_536, %dma_wait3A_537, %dma_wait3A_538] : memref<4x2x1024x1024xf32, #tpu.memory_space<vmem>> -> memref<1x2x1024x1024xf32, #tpu.memory_space<vmem>>
    %dma_wait3A_540 = tpu.memref_squeeze %dma_wait3A_539 : memref<1x2x1024x1024xf32, #tpu.memory_space<vmem>> -> memref<2x1024x1024xf32, #tpu.memory_space<vmem>>
    tpu.wait_dma2 semaphore(%dma_wait3A_531 : memref<!tpu.dma_semaphore, #tpu.memory_space<semaphore_mem>>) src(%dma_wait3A_540 : memref<2x1024x1024xf32, #tpu.memory_space<vmem>>) dst(%dma_wait3A_535 : memref<2x1024x1024xf32, #tpu.memory_space<any>>)
    %get3A_541 = arith.constant 30 : index
    %get3A_542 = arith.constant 0 : index
    %get3A_543 = vector.load %arg0[%get3A_541, %get3A_542] : memref<50x1024xf32, #tpu.memory_space<vmem>>, vector<2x1024xf32>
    %broadcast_in_dim3A_544 = vector.shape_cast %get3A_543 : vector<2x1024xf32> to vector<2x1x1024xf32>
    %broadcast_in_dim3A_545 = vector.shape_cast %broadcast_in_dim3A_544 : vector<2x1x1024xf32> to vector<2x1x1024xf32>
    %broadcast_in_dim3A_546 = vector.broadcast %broadcast_in_dim3A_545 : vector<2x1x1024xf32> to vector<2x1024x1024xf32>
    %swap3A_547 = arith.constant 3 : index
    %swap3A_548 = arith.constant 0 : index
    %swap3A_549 = arith.constant 0 : index
    %swap3A_550 = arith.constant 0 : index
    %swap3A_551 = vector.load %arg2[%swap3A_547, %swap3A_548, %swap3A_549, %swap3A_550] : memref<4x2x1024x1024xf32, #tpu.memory_space<vmem>>, vector<1x2x1024x1024xf32>
    %swap3A_552 = vector.shape_cast %swap3A_551 : vector<1x2x1024x1024xf32> to vector<2x1024x1024xf32>
    %swap3A_553 = vector.shape_cast %broadcast_in_dim3A_546 : vector<2x1024x1024xf32> to vector<1x2x1024x1024xf32>
    tpu.vector_store %arg2[%swap3A_547, %swap3A_548, %swap3A_549, %swap3A_550], %swap3A_553 {strides = array<i32>} : memref<4x2x1024x1024xf32, #tpu.memory_space<vmem>>, vector<1x2x1024x1024xf32>,
    %dma_start3A_554 = arith.constant 3 : i32
    %dma_start3A_555 = arith.constant 3 : i32
    %dma_start3A_556 = tpu.memref_slice %arg3[%dma_start3A_555] : memref<4x!tpu.dma_semaphore, #tpu.memory_space<semaphore_mem>> -> memref<1x!tpu.dma_semaphore, #tpu.memory_space<semaphore_mem>>
    %dma_start3A_557 = tpu.memref_squeeze %dma_start3A_556 : memref<1x!tpu.dma_semaphore, #tpu.memory_space<semaphore_mem>> -> memref<!tpu.dma_semaphore, #tpu.memory_space<semaphore_mem>>
    %dma_start3A_558 = arith.constant 30 : i32
    %dma_start3A_559 = arith.constant 0 : i32
    %dma_start3A_560 = arith.constant 0 : i32
    %dma_start3A_561 = tpu.memref_slice %arg1[%dma_start3A_558, %dma_start3A_559, %dma_start3A_560] : memref<50x1024x1024xf32, #tpu.memory_space<any>> -> memref<2x1024x1024xf32, #tpu.memory_space<any>>
    %dma_start3A_562 = arith.constant 0 : i32
    %dma_start3A_563 = arith.constant 0 : i32
    %dma_start3A_564 = arith.constant 0 : i32
    %dma_start3A_565 = tpu.memref_slice %arg2[%dma_start3A_554, %dma_start3A_562, %dma_start3A_563, %dma_start3A_564] : memref<4x2x1024x1024xf32, #tpu.memory_space<vmem>> -> memref<1x2x1024x1024xf32, #tpu.memory_space<vmem>>
    %dma_start3A_566 = tpu.memref_squeeze %dma_start3A_565 : memref<1x2x1024x1024xf32, #tpu.memory_space<vmem>> -> memref<2x1024x1024xf32, #tpu.memory_space<vmem>>
    tpu.enqueue_dma source(%dma_start3A_566 : memref<2x1024x1024xf32, #tpu.memory_space<vmem>>) target(%dma_start3A_561 : memref<2x1024x1024xf32, #tpu.memory_space<any>>) target_semaphore(%dma_start3A_557 : memref<!tpu.dma_semaphore, #tpu.memory_space<semaphore_mem>>)
    %dma_wait3A_567 = arith.constant 0 : i32
    %dma_wait3A_568 = arith.constant 0 : i32
    %dma_wait3A_569 = tpu.memref_slice %arg3[%dma_wait3A_568] : memref<4x!tpu.dma_semaphore, #tpu.memory_space<semaphore_mem>> -> memref<1x!tpu.dma_semaphore, #tpu.memory_space<semaphore_mem>>
    %dma_wait3A_570 = tpu.memref_squeeze %dma_wait3A_569 : memref<1x!tpu.dma_semaphore, #tpu.memory_space<semaphore_mem>> -> memref<!tpu.dma_semaphore, #tpu.memory_space<semaphore_mem>>
    %dma_wait3A_571 = arith.constant 24 : i32
    %dma_wait3A_572 = arith.constant 0 : i32
    %dma_wait3A_573 = arith.constant 0 : i32
    %dma_wait3A_574 = tpu.memref_slice %arg1[%dma_wait3A_571, %dma_wait3A_572, %dma_wait3A_573] : memref<50x1024x1024xf32, #tpu.memory_space<any>> -> memref<2x1024x1024xf32, #tpu.memory_space<any>>
    %dma_wait3A_575 = arith.constant 0 : i32
    %dma_wait3A_576 = arith.constant 0 : i32
    %dma_wait3A_577 = arith.constant 0 : i32
    %dma_wait3A_578 = tpu.memref_slice %arg2[%dma_wait3A_567, %dma_wait3A_575, %dma_wait3A_576, %dma_wait3A_577] : memref<4x2x1024x1024xf32, #tpu.memory_space<vmem>> -> memref<1x2x1024x1024xf32, #tpu.memory_space<vmem>>
    %dma_wait3A_579 = tpu.memref_squeeze %dma_wait3A_578 : memref<1x2x1024x1024xf32, #tpu.memory_space<vmem>> -> memref<2x1024x1024xf32, #tpu.memory_space<vmem>>
    tpu.wait_dma2 semaphore(%dma_wait3A_570 : memref<!tpu.dma_semaphore, #tpu.memory_space<semaphore_mem>>) src(%dma_wait3A_579 : memref<2x1024x1024xf32, #tpu.memory_space<vmem>>) dst(%dma_wait3A_574 : memref<2x1024x1024xf32, #tpu.memory_space<any>>)
    %get3A_580 = arith.constant 32 : index
    %get3A_581 = arith.constant 0 : index
    %get3A_582 = vector.load %arg0[%get3A_580, %get3A_581] : memref<50x1024xf32, #tpu.memory_space<vmem>>, vector<2x1024xf32>
    %broadcast_in_dim3A_583 = vector.shape_cast %get3A_582 : vector<2x1024xf32> to vector<2x1x1024xf32>
    %broadcast_in_dim3A_584 = vector.shape_cast %broadcast_in_dim3A_583 : vector<2x1x1024xf32> to vector<2x1x1024xf32>
    %broadcast_in_dim3A_585 = vector.broadcast %broadcast_in_dim3A_584 : vector<2x1x1024xf32> to vector<2x1024x1024xf32>
    %swap3A_586 = arith.constant 0 : index
    %swap3A_587 = arith.constant 0 : index
    %swap3A_588 = arith.constant 0 : index
    %swap3A_589 = arith.constant 0 : index
    %swap3A_590 = vector.load %arg2[%swap3A_586, %swap3A_587, %swap3A_588, %swap3A_589] : memref<4x2x1024x1024xf32, #tpu.memory_space<vmem>>, vector<1x2x1024x1024xf32>
    %swap3A_591 = vector.shape_cast %swap3A_590 : vector<1x2x1024x1024xf32> to vector<2x1024x1024xf32>
    %swap3A_592 = vector.shape_cast %broadcast_in_dim3A_585 : vector<2x1024x1024xf32> to vector<1x2x1024x1024xf32>
    tpu.vector_store %arg2[%swap3A_586, %swap3A_587, %swap3A_588, %swap3A_589], %swap3A_592 {strides = array<i32>} : memref<4x2x1024x1024xf32, #tpu.memory_space<vmem>>, vector<1x2x1024x1024xf32>,
    %dma_start3A_593 = arith.constant 0 : i32
    %dma_start3A_594 = arith.constant 0 : i32
    %dma_start3A_595 = tpu.memref_slice %arg3[%dma_start3A_594] : memref<4x!tpu.dma_semaphore, #tpu.memory_space<semaphore_mem>> -> memref<1x!tpu.dma_semaphore, #tpu.memory_space<semaphore_mem>>
    %dma_start3A_596 = tpu.memref_squeeze %dma_start3A_595 : memref<1x!tpu.dma_semaphore, #tpu.memory_space<semaphore_mem>> -> memref<!tpu.dma_semaphore, #tpu.memory_space<semaphore_mem>>
    %dma_start3A_597 = arith.constant 32 : i32
    %dma_start3A_598 = arith.constant 0 : i32
    %dma_start3A_599 = arith.constant 0 : i32
    %dma_start3A_600 = tpu.memref_slice %arg1[%dma_start3A_597, %dma_start3A_598, %dma_start3A_599] : memref<50x1024x1024xf32, #tpu.memory_space<any>> -> memref<2x1024x1024xf32, #tpu.memory_space<any>>
    %dma_start3A_601 = arith.constant 0 : i32
    %dma_start3A_602 = arith.constant 0 : i32
    %dma_start3A_603 = arith.constant 0 : i32
    %dma_start3A_604 = tpu.memref_slice %arg2[%dma_start3A_593, %dma_start3A_601, %dma_start3A_602, %dma_start3A_603] : memref<4x2x1024x1024xf32, #tpu.memory_space<vmem>> -> memref<1x2x1024x1024xf32, #tpu.memory_space<vmem>>
    %dma_start3A_605 = tpu.memref_squeeze %dma_start3A_604 : memref<1x2x1024x1024xf32, #tpu.memory_space<vmem>> -> memref<2x1024x1024xf32, #tpu.memory_space<vmem>>
    tpu.enqueue_dma source(%dma_start3A_605 : memref<2x1024x1024xf32, #tpu.memory_space<vmem>>) target(%dma_start3A_600 : memref<2x1024x1024xf32, #tpu.memory_space<any>>) target_semaphore(%dma_start3A_596 : memref<!tpu.dma_semaphore, #tpu.memory_space<semaphore_mem>>)
    %dma_wait3A_606 = arith.constant 1 : i32
    %dma_wait3A_607 = arith.constant 1 : i32
    %dma_wait3A_608 = tpu.memref_slice %arg3[%dma_wait3A_607] : memref<4x!tpu.dma_semaphore, #tpu.memory_space<semaphore_mem>> -> memref<1x!tpu.dma_semaphore, #tpu.memory_space<semaphore_mem>>
    %dma_wait3A_609 = tpu.memref_squeeze %dma_wait3A_608 : memref<1x!tpu.dma_semaphore, #tpu.memory_space<semaphore_mem>> -> memref<!tpu.dma_semaphore, #tpu.memory_space<semaphore_mem>>
    %dma_wait3A_610 = arith.constant 26 : i32
    %dma_wait3A_611 = arith.constant 0 : i32
    %dma_wait3A_612 = arith.constant 0 : i32
    %dma_wait3A_613 = tpu.memref_slice %arg1[%dma_wait3A_610, %dma_wait3A_611, %dma_wait3A_612] : memref<50x1024x1024xf32, #tpu.memory_space<any>> -> memref<2x1024x1024xf32, #tpu.memory_space<any>>
    %dma_wait3A_614 = arith.constant 0 : i32
    %dma_wait3A_615 = arith.constant 0 : i32
    %dma_wait3A_616 = arith.constant 0 : i32
    %dma_wait3A_617 = tpu.memref_slice %arg2[%dma_wait3A_606, %dma_wait3A_614, %dma_wait3A_615, %dma_wait3A_616] : memref<4x2x1024x1024xf32, #tpu.memory_space<vmem>> -> memref<1x2x1024x1024xf32, #tpu.memory_space<vmem>>
    %dma_wait3A_618 = tpu.memref_squeeze %dma_wait3A_617 : memref<1x2x1024x1024xf32, #tpu.memory_space<vmem>> -> memref<2x1024x1024xf32, #tpu.memory_space<vmem>>
    tpu.wait_dma2 semaphore(%dma_wait3A_609 : memref<!tpu.dma_semaphore, #tpu.memory_space<semaphore_mem>>) src(%dma_wait3A_618 : memref<2x1024x1024xf32, #tpu.memory_space<vmem>>) dst(%dma_wait3A_613 : memref<2x1024x1024xf32, #tpu.memory_space<any>>)
    %get3A_619 = arith.constant 34 : index
    %get3A_620 = arith.constant 0 : index
    %get3A_621 = vector.load %arg0[%get3A_619, %get3A_620] : memref<50x1024xf32, #tpu.memory_space<vmem>>, vector<2x1024xf32>
    %broadcast_in_dim3A_622 = vector.shape_cast %get3A_621 : vector<2x1024xf32> to vector<2x1x1024xf32>
    %broadcast_in_dim3A_623 = vector.shape_cast %broadcast_in_dim3A_622 : vector<2x1x1024xf32> to vector<2x1x1024xf32>
    %broadcast_in_dim3A_624 = vector.broadcast %broadcast_in_dim3A_623 : vector<2x1x1024xf32> to vector<2x1024x1024xf32>
    %swap3A_625 = arith.constant 1 : index
    %swap3A_626 = arith.constant 0 : index
    %swap3A_627 = arith.constant 0 : index
    %swap3A_628 = arith.constant 0 : index
    %swap3A_629 = vector.load %arg2[%swap3A_625, %swap3A_626, %swap3A_627, %swap3A_628] : memref<4x2x1024x1024xf32, #tpu.memory_space<vmem>>, vector<1x2x1024x1024xf32>
    %swap3A_630 = vector.shape_cast %swap3A_629 : vector<1x2x1024x1024xf32> to vector<2x1024x1024xf32>
    %swap3A_631 = vector.shape_cast %broadcast_in_dim3A_624 : vector<2x1024x1024xf32> to vector<1x2x1024x1024xf32>
    tpu.vector_store %arg2[%swap3A_625, %swap3A_626, %swap3A_627, %swap3A_628], %swap3A_631 {strides = array<i32>} : memref<4x2x1024x1024xf32, #tpu.memory_space<vmem>>, vector<1x2x1024x1024xf32>,
    %dma_start3A_632 = arith.constant 1 : i32
    %dma_start3A_633 = arith.constant 1 : i32
    %dma_start3A_634 = tpu.memref_slice %arg3[%dma_start3A_633] : memref<4x!tpu.dma_semaphore, #tpu.memory_space<semaphore_mem>> -> memref<1x!tpu.dma_semaphore, #tpu.memory_space<semaphore_mem>>
    %dma_start3A_635 = tpu.memref_squeeze %dma_start3A_634 : memref<1x!tpu.dma_semaphore, #tpu.memory_space<semaphore_mem>> -> memref<!tpu.dma_semaphore, #tpu.memory_space<semaphore_mem>>
    %dma_start3A_636 = arith.constant 34 : i32
    %dma_start3A_637 = arith.constant 0 : i32
    %dma_start3A_638 = arith.constant 0 : i32
    %dma_start3A_639 = tpu.memref_slice %arg1[%dma_start3A_636, %dma_start3A_637, %dma_start3A_638] : memref<50x1024x1024xf32, #tpu.memory_space<any>> -> memref<2x1024x1024xf32, #tpu.memory_space<any>>
    %dma_start3A_640 = arith.constant 0 : i32
    %dma_start3A_641 = arith.constant 0 : i32
    %dma_start3A_642 = arith.constant 0 : i32
    %dma_start3A_643 = tpu.memref_slice %arg2[%dma_start3A_632, %dma_start3A_640, %dma_start3A_641, %dma_start3A_642] : memref<4x2x1024x1024xf32, #tpu.memory_space<vmem>> -> memref<1x2x1024x1024xf32, #tpu.memory_space<vmem>>
    %dma_start3A_644 = tpu.memref_squeeze %dma_start3A_643 : memref<1x2x1024x1024xf32, #tpu.memory_space<vmem>> -> memref<2x1024x1024xf32, #tpu.memory_space<vmem>>
    tpu.enqueue_dma source(%dma_start3A_644 : memref<2x1024x1024xf32, #tpu.memory_space<vmem>>) target(%dma_start3A_639 : memref<2x1024x1024xf32, #tpu.memory_space<any>>) target_semaphore(%dma_start3A_635 : memref<!tpu.dma_semaphore, #tpu.memory_space<semaphore_mem>>)
    %dma_wait3A_645 = arith.constant 2 : i32
    %dma_wait3A_646 = arith.constant 2 : i32
    %dma_wait3A_647 = tpu.memref_slice %arg3[%dma_wait3A_646] : memref<4x!tpu.dma_semaphore, #tpu.memory_space<semaphore_mem>> -> memref<1x!tpu.dma_semaphore, #tpu.memory_space<semaphore_mem>>
    %dma_wait3A_648 = tpu.memref_squeeze %dma_wait3A_647 : memref<1x!tpu.dma_semaphore, #tpu.memory_space<semaphore_mem>> -> memref<!tpu.dma_semaphore, #tpu.memory_space<semaphore_mem>>
    %dma_wait3A_649 = arith.constant 28 : i32
    %dma_wait3A_650 = arith.constant 0 : i32
    %dma_wait3A_651 = arith.constant 0 : i32
    %dma_wait3A_652 = tpu.memref_slice %arg1[%dma_wait3A_649, %dma_wait3A_650, %dma_wait3A_651] : memref<50x1024x1024xf32, #tpu.memory_space<any>> -> memref<2x1024x1024xf32, #tpu.memory_space<any>>
    %dma_wait3A_653 = arith.constant 0 : i32
    %dma_wait3A_654 = arith.constant 0 : i32
    %dma_wait3A_655 = arith.constant 0 : i32
    %dma_wait3A_656 = tpu.memref_slice %arg2[%dma_wait3A_645, %dma_wait3A_653, %dma_wait3A_654, %dma_wait3A_655] : memref<4x2x1024x1024xf32, #tpu.memory_space<vmem>> -> memref<1x2x1024x1024xf32, #tpu.memory_space<vmem>>
    %dma_wait3A_657 = tpu.memref_squeeze %dma_wait3A_656 : memref<1x2x1024x1024xf32, #tpu.memory_space<vmem>> -> memref<2x1024x1024xf32, #tpu.memory_space<vmem>>
    tpu.wait_dma2 semaphore(%dma_wait3A_648 : memref<!tpu.dma_semaphore, #tpu.memory_space<semaphore_mem>>) src(%dma_wait3A_657 : memref<2x1024x1024xf32, #tpu.memory_space<vmem>>) dst(%dma_wait3A_652 : memref<2x1024x1024xf32, #tpu.memory_space<any>>)
    %get3A_658 = arith.constant 36 : index
    %get3A_659 = arith.constant 0 : index
    %get3A_660 = vector.load %arg0[%get3A_658, %get3A_659] : memref<50x1024xf32, #tpu.memory_space<vmem>>, vector<2x1024xf32>
    %broadcast_in_dim3A_661 = vector.shape_cast %get3A_660 : vector<2x1024xf32> to vector<2x1x1024xf32>
    %broadcast_in_dim3A_662 = vector.shape_cast %broadcast_in_dim3A_661 : vector<2x1x1024xf32> to vector<2x1x1024xf32>
    %broadcast_in_dim3A_663 = vector.broadcast %broadcast_in_dim3A_662 : vector<2x1x1024xf32> to vector<2x1024x1024xf32>
    %swap3A_664 = arith.constant 2 : index
    %swap3A_665 = arith.constant 0 : index
    %swap3A_666 = arith.constant 0 : index
    %swap3A_667 = arith.constant 0 : index
    %swap3A_668 = vector.load %arg2[%swap3A_664, %swap3A_665, %swap3A_666, %swap3A_667] : memref<4x2x1024x1024xf32, #tpu.memory_space<vmem>>, vector<1x2x1024x1024xf32>
    %swap3A_669 = vector.shape_cast %swap3A_668 : vector<1x2x1024x1024xf32> to vector<2x1024x1024xf32>
    %swap3A_670 = vector.shape_cast %broadcast_in_dim3A_663 : vector<2x1024x1024xf32> to vector<1x2x1024x1024xf32>
    tpu.vector_store %arg2[%swap3A_664, %swap3A_665, %swap3A_666, %swap3A_667], %swap3A_670 {strides = array<i32>} : memref<4x2x1024x1024xf32, #tpu.memory_space<vmem>>, vector<1x2x1024x1024xf32>,
    %dma_start3A_671 = arith.constant 2 : i32
    %dma_start3A_672 = arith.constant 2 : i32
    %dma_start3A_673 = tpu.memref_slice %arg3[%dma_start3A_672] : memref<4x!tpu.dma_semaphore, #tpu.memory_space<semaphore_mem>> -> memref<1x!tpu.dma_semaphore, #tpu.memory_space<semaphore_mem>>
    %dma_start3A_674 = tpu.memref_squeeze %dma_start3A_673 : memref<1x!tpu.dma_semaphore, #tpu.memory_space<semaphore_mem>> -> memref<!tpu.dma_semaphore, #tpu.memory_space<semaphore_mem>>
    %dma_start3A_675 = arith.constant 36 : i32
    %dma_start3A_676 = arith.constant 0 : i32
    %dma_start3A_677 = arith.constant 0 : i32
    %dma_start3A_678 = tpu.memref_slice %arg1[%dma_start3A_675, %dma_start3A_676, %dma_start3A_677] : memref<50x1024x1024xf32, #tpu.memory_space<any>> -> memref<2x1024x1024xf32, #tpu.memory_space<any>>
    %dma_start3A_679 = arith.constant 0 : i32
    %dma_start3A_680 = arith.constant 0 : i32
    %dma_start3A_681 = arith.constant 0 : i32
    %dma_start3A_682 = tpu.memref_slice %arg2[%dma_start3A_671, %dma_start3A_679, %dma_start3A_680, %dma_start3A_681] : memref<4x2x1024x1024xf32, #tpu.memory_space<vmem>> -> memref<1x2x1024x1024xf32, #tpu.memory_space<vmem>>
    %dma_start3A_683 = tpu.memref_squeeze %dma_start3A_682 : memref<1x2x1024x1024xf32, #tpu.memory_space<vmem>> -> memref<2x1024x1024xf32, #tpu.memory_space<vmem>>
    tpu.enqueue_dma source(%dma_start3A_683 : memref<2x1024x1024xf32, #tpu.memory_space<vmem>>) target(%dma_start3A_678 : memref<2x1024x1024xf32, #tpu.memory_space<any>>) target_semaphore(%dma_start3A_674 : memref<!tpu.dma_semaphore, #tpu.memory_space<semaphore_mem>>)
    %dma_wait3A_684 = arith.constant 3 : i32
    %dma_wait3A_685 = arith.constant 3 : i32
    %dma_wait3A_686 = tpu.memref_slice %arg3[%dma_wait3A_685] : memref<4x!tpu.dma_semaphore, #tpu.memory_space<semaphore_mem>> -> memref<1x!tpu.dma_semaphore, #tpu.memory_space<semaphore_mem>>
    %dma_wait3A_687 = tpu.memref_squeeze %dma_wait3A_686 : memref<1x!tpu.dma_semaphore, #tpu.memory_space<semaphore_mem>> -> memref<!tpu.dma_semaphore, #tpu.memory_space<semaphore_mem>>
    %dma_wait3A_688 = arith.constant 30 : i32
    %dma_wait3A_689 = arith.constant 0 : i32
    %dma_wait3A_690 = arith.constant 0 : i32
    %dma_wait3A_691 = tpu.memref_slice %arg1[%dma_wait3A_688, %dma_wait3A_689, %dma_wait3A_690] : memref<50x1024x1024xf32, #tpu.memory_space<any>> -> memref<2x1024x1024xf32, #tpu.memory_space<any>>
    %dma_wait3A_692 = arith.constant 0 : i32
    %dma_wait3A_693 = arith.constant 0 : i32
    %dma_wait3A_694 = arith.constant 0 : i32
    %dma_wait3A_695 = tpu.memref_slice %arg2[%dma_wait3A_684, %dma_wait3A_692, %dma_wait3A_693, %dma_wait3A_694] : memref<4x2x1024x1024xf32, #tpu.memory_space<vmem>> -> memref<1x2x1024x1024xf32, #tpu.memory_space<vmem>>
    %dma_wait3A_696 = tpu.memref_squeeze %dma_wait3A_695 : memref<1x2x1024x1024xf32, #tpu.memory_space<vmem>> -> memref<2x1024x1024xf32, #tpu.memory_space<vmem>>
    tpu.wait_dma2 semaphore(%dma_wait3A_687 : memref<!tpu.dma_semaphore, #tpu.memory_space<semaphore_mem>>) src(%dma_wait3A_696 : memref<2x1024x1024xf32, #tpu.memory_space<vmem>>) dst(%dma_wait3A_691 : memref<2x1024x1024xf32, #tpu.memory_space<any>>)
    %get3A_697 = arith.constant 38 : index
    %get3A_698 = arith.constant 0 : index
    %get3A_699 = vector.load %arg0[%get3A_697, %get3A_698] : memref<50x1024xf32, #tpu.memory_space<vmem>>, vector<2x1024xf32>
    %broadcast_in_dim3A_700 = vector.shape_cast %get3A_699 : vector<2x1024xf32> to vector<2x1x1024xf32>
    %broadcast_in_dim3A_701 = vector.shape_cast %broadcast_in_dim3A_700 : vector<2x1x1024xf32> to vector<2x1x1024xf32>
    %broadcast_in_dim3A_702 = vector.broadcast %broadcast_in_dim3A_701 : vector<2x1x1024xf32> to vector<2x1024x1024xf32>
    %swap3A_703 = arith.constant 3 : index
    %swap3A_704 = arith.constant 0 : index
    %swap3A_705 = arith.constant 0 : index
    %swap3A_706 = arith.constant 0 : index
    %swap3A_707 = vector.load %arg2[%swap3A_703, %swap3A_704, %swap3A_705, %swap3A_706] : memref<4x2x1024x1024xf32, #tpu.memory_space<vmem>>, vector<1x2x1024x1024xf32>
    %swap3A_708 = vector.shape_cast %swap3A_707 : vector<1x2x1024x1024xf32> to vector<2x1024x1024xf32>
    %swap3A_709 = vector.shape_cast %broadcast_in_dim3A_702 : vector<2x1024x1024xf32> to vector<1x2x1024x1024xf32>
    tpu.vector_store %arg2[%swap3A_703, %swap3A_704, %swap3A_705, %swap3A_706], %swap3A_709 {strides = array<i32>} : memref<4x2x1024x1024xf32, #tpu.memory_space<vmem>>, vector<1x2x1024x1024xf32>,
    %dma_start3A_710 = arith.constant 3 : i32
    %dma_start3A_711 = arith.constant 3 : i32
    %dma_start3A_712 = tpu.memref_slice %arg3[%dma_start3A_711] : memref<4x!tpu.dma_semaphore, #tpu.memory_space<semaphore_mem>> -> memref<1x!tpu.dma_semaphore, #tpu.memory_space<semaphore_mem>>
    %dma_start3A_713 = tpu.memref_squeeze %dma_start3A_712 : memref<1x!tpu.dma_semaphore, #tpu.memory_space<semaphore_mem>> -> memref<!tpu.dma_semaphore, #tpu.memory_space<semaphore_mem>>
    %dma_start3A_714 = arith.constant 38 : i32
    %dma_start3A_715 = arith.constant 0 : i32
    %dma_start3A_716 = arith.constant 0 : i32
    %dma_start3A_717 = tpu.memref_slice %arg1[%dma_start3A_714, %dma_start3A_715, %dma_start3A_716] : memref<50x1024x1024xf32, #tpu.memory_space<any>> -> memref<2x1024x1024xf32, #tpu.memory_space<any>>
    %dma_start3A_718 = arith.constant 0 : i32
    %dma_start3A_719 = arith.constant 0 : i32
    %dma_start3A_720 = arith.constant 0 : i32
    %dma_start3A_721 = tpu.memref_slice %arg2[%dma_start3A_710, %dma_start3A_718, %dma_start3A_719, %dma_start3A_720] : memref<4x2x1024x1024xf32, #tpu.memory_space<vmem>> -> memref<1x2x1024x1024xf32, #tpu.memory_space<vmem>>
    %dma_start3A_722 = tpu.memref_squeeze %dma_start3A_721 : memref<1x2x1024x1024xf32, #tpu.memory_space<vmem>> -> memref<2x1024x1024xf32, #tpu.memory_space<vmem>>
    tpu.enqueue_dma source(%dma_start3A_722 : memref<2x1024x1024xf32, #tpu.memory_space<vmem>>) target(%dma_start3A_717 : memref<2x1024x1024xf32, #tpu.memory_space<any>>) target_semaphore(%dma_start3A_713 : memref<!tpu.dma_semaphore, #tpu.memory_space<semaphore_mem>>)
    %dma_wait3A_723 = arith.constant 0 : i32
    %dma_wait3A_724 = arith.constant 0 : i32
    %dma_wait3A_725 = tpu.memref_slice %arg3[%dma_wait3A_724] : memref<4x!tpu.dma_semaphore, #tpu.memory_space<semaphore_mem>> -> memref<1x!tpu.dma_semaphore, #tpu.memory_space<semaphore_mem>>
    %dma_wait3A_726 = tpu.memref_squeeze %dma_wait3A_725 : memref<1x!tpu.dma_semaphore, #tpu.memory_space<semaphore_mem>> -> memref<!tpu.dma_semaphore, #tpu.memory_space<semaphore_mem>>
    %dma_wait3A_727 = arith.constant 32 : i32
    %dma_wait3A_728 = arith.constant 0 : i32
    %dma_wait3A_729 = arith.constant 0 : i32
    %dma_wait3A_730 = tpu.memref_slice %arg1[%dma_wait3A_727, %dma_wait3A_728, %dma_wait3A_729] : memref<50x1024x1024xf32, #tpu.memory_space<any>> -> memref<2x1024x1024xf32, #tpu.memory_space<any>>
    %dma_wait3A_731 = arith.constant 0 : i32
    %dma_wait3A_732 = arith.constant 0 : i32
    %dma_wait3A_733 = arith.constant 0 : i32
    %dma_wait3A_734 = tpu.memref_slice %arg2[%dma_wait3A_723, %dma_wait3A_731, %dma_wait3A_732, %dma_wait3A_733] : memref<4x2x1024x1024xf32, #tpu.memory_space<vmem>> -> memref<1x2x1024x1024xf32, #tpu.memory_space<vmem>>
    %dma_wait3A_735 = tpu.memref_squeeze %dma_wait3A_734 : memref<1x2x1024x1024xf32, #tpu.memory_space<vmem>> -> memref<2x1024x1024xf32, #tpu.memory_space<vmem>>
    tpu.wait_dma2 semaphore(%dma_wait3A_726 : memref<!tpu.dma_semaphore, #tpu.memory_space<semaphore_mem>>) src(%dma_wait3A_735 : memref<2x1024x1024xf32, #tpu.memory_space<vmem>>) dst(%dma_wait3A_730 : memref<2x1024x1024xf32, #tpu.memory_space<any>>)
    %get3A_736 = arith.constant 40 : index
    %get3A_737 = arith.constant 0 : index
    %get3A_738 = vector.load %arg0[%get3A_736, %get3A_737] : memref<50x1024xf32, #tpu.memory_space<vmem>>, vector<2x1024xf32>
    %broadcast_in_dim3A_739 = vector.shape_cast %get3A_738 : vector<2x1024xf32> to vector<2x1x1024xf32>
    %broadcast_in_dim3A_740 = vector.shape_cast %broadcast_in_dim3A_739 : vector<2x1x1024xf32> to vector<2x1x1024xf32>
    %broadcast_in_dim3A_741 = vector.broadcast %broadcast_in_dim3A_740 : vector<2x1x1024xf32> to vector<2x1024x1024xf32>
    %swap3A_742 = arith.constant 0 : index
    %swap3A_743 = arith.constant 0 : index
    %swap3A_744 = arith.constant 0 : index
    %swap3A_745 = arith.constant 0 : index
    %swap3A_746 = vector.load %arg2[%swap3A_742, %swap3A_743, %swap3A_744, %swap3A_745] : memref<4x2x1024x1024xf32, #tpu.memory_space<vmem>>, vector<1x2x1024x1024xf32>
    %swap3A_747 = vector.shape_cast %swap3A_746 : vector<1x2x1024x1024xf32> to vector<2x1024x1024xf32>
    %swap3A_748 = vector.shape_cast %broadcast_in_dim3A_741 : vector<2x1024x1024xf32> to vector<1x2x1024x1024xf32>
    tpu.vector_store %arg2[%swap3A_742, %swap3A_743, %swap3A_744, %swap3A_745], %swap3A_748 {strides = array<i32>} : memref<4x2x1024x1024xf32, #tpu.memory_space<vmem>>, vector<1x2x1024x1024xf32>,
    %dma_start3A_749 = arith.constant 0 : i32
    %dma_start3A_750 = arith.constant 0 : i32
    %dma_start3A_751 = tpu.memref_slice %arg3[%dma_start3A_750] : memref<4x!tpu.dma_semaphore, #tpu.memory_space<semaphore_mem>> -> memref<1x!tpu.dma_semaphore, #tpu.memory_space<semaphore_mem>>
    %dma_start3A_752 = tpu.memref_squeeze %dma_start3A_751 : memref<1x!tpu.dma_semaphore, #tpu.memory_space<semaphore_mem>> -> memref<!tpu.dma_semaphore, #tpu.memory_space<semaphore_mem>>
    %dma_start3A_753 = arith.constant 40 : i32
    %dma_start3A_754 = arith.constant 0 : i32
    %dma_start3A_755 = arith.constant 0 : i32
    %dma_start3A_756 = tpu.memref_slice %arg1[%dma_start3A_753, %dma_start3A_754, %dma_start3A_755] : memref<50x1024x1024xf32, #tpu.memory_space<any>> -> memref<2x1024x1024xf32, #tpu.memory_space<any>>
    %dma_start3A_757 = arith.constant 0 : i32
    %dma_start3A_758 = arith.constant 0 : i32
    %dma_start3A_759 = arith.constant 0 : i32
    %dma_start3A_760 = tpu.memref_slice %arg2[%dma_start3A_749, %dma_start3A_757, %dma_start3A_758, %dma_start3A_759] : memref<4x2x1024x1024xf32, #tpu.memory_space<vmem>> -> memref<1x2x1024x1024xf32, #tpu.memory_space<vmem>>
    %dma_start3A_761 = tpu.memref_squeeze %dma_start3A_760 : memref<1x2x1024x1024xf32, #tpu.memory_space<vmem>> -> memref<2x1024x1024xf32, #tpu.memory_space<vmem>>
    tpu.enqueue_dma source(%dma_start3A_761 : memref<2x1024x1024xf32, #tpu.memory_space<vmem>>) target(%dma_start3A_756 : memref<2x1024x1024xf32, #tpu.memory_space<any>>) target_semaphore(%dma_start3A_752 : memref<!tpu.dma_semaphore, #tpu.memory_space<semaphore_mem>>)
    %dma_wait3A_762 = arith.constant 1 : i32
    %dma_wait3A_763 = arith.constant 1 : i32
    %dma_wait3A_764 = tpu.memref_slice %arg3[%dma_wait3A_763] : memref<4x!tpu.dma_semaphore, #tpu.memory_space<semaphore_mem>> -> memref<1x!tpu.dma_semaphore, #tpu.memory_space<semaphore_mem>>
    %dma_wait3A_765 = tpu.memref_squeeze %dma_wait3A_764 : memref<1x!tpu.dma_semaphore, #tpu.memory_space<semaphore_mem>> -> memref<!tpu.dma_semaphore, #tpu.memory_space<semaphore_mem>>
    %dma_wait3A_766 = arith.constant 34 : i32
    %dma_wait3A_767 = arith.constant 0 : i32
    %dma_wait3A_768 = arith.constant 0 : i32
    %dma_wait3A_769 = tpu.memref_slice %arg1[%dma_wait3A_766, %dma_wait3A_767, %dma_wait3A_768] : memref<50x1024x1024xf32, #tpu.memory_space<any>> -> memref<2x1024x1024xf32, #tpu.memory_space<any>>
    %dma_wait3A_770 = arith.constant 0 : i32
    %dma_wait3A_771 = arith.constant 0 : i32
    %dma_wait3A_772 = arith.constant 0 : i32
    %dma_wait3A_773 = tpu.memref_slice %arg2[%dma_wait3A_762, %dma_wait3A_770, %dma_wait3A_771, %dma_wait3A_772] : memref<4x2x1024x1024xf32, #tpu.memory_space<vmem>> -> memref<1x2x1024x1024xf32, #tpu.memory_space<vmem>>
    %dma_wait3A_774 = tpu.memref_squeeze %dma_wait3A_773 : memref<1x2x1024x1024xf32, #tpu.memory_space<vmem>> -> memref<2x1024x1024xf32, #tpu.memory_space<vmem>>
    tpu.wait_dma2 semaphore(%dma_wait3A_765 : memref<!tpu.dma_semaphore, #tpu.memory_space<semaphore_mem>>) src(%dma_wait3A_774 : memref<2x1024x1024xf32, #tpu.memory_space<vmem>>) dst(%dma_wait3A_769 : memref<2x1024x1024xf32, #tpu.memory_space<any>>)
    %get3A_775 = arith.constant 42 : index
    %get3A_776 = arith.constant 0 : index
    %get3A_777 = vector.load %arg0[%get3A_775, %get3A_776] : memref<50x1024xf32, #tpu.memory_space<vmem>>, vector<2x1024xf32>
    %broadcast_in_dim3A_778 = vector.shape_cast %get3A_777 : vector<2x1024xf32> to vector<2x1x1024xf32>
    %broadcast_in_dim3A_779 = vector.shape_cast %broadcast_in_dim3A_778 : vector<2x1x1024xf32> to vector<2x1x1024xf32>
    %broadcast_in_dim3A_780 = vector.broadcast %broadcast_in_dim3A_779 : vector<2x1x1024xf32> to vector<2x1024x1024xf32>
    %swap3A_781 = arith.constant 1 : index
    %swap3A_782 = arith.constant 0 : index
    %swap3A_783 = arith.constant 0 : index
    %swap3A_784 = arith.constant 0 : index
    %swap3A_785 = vector.load %arg2[%swap3A_781, %swap3A_782, %swap3A_783, %swap3A_784] : memref<4x2x1024x1024xf32, #tpu.memory_space<vmem>>, vector<1x2x1024x1024xf32>
    %swap3A_786 = vector.shape_cast %swap3A_785 : vector<1x2x1024x1024xf32> to vector<2x1024x1024xf32>
    %swap3A_787 = vector.shape_cast %broadcast_in_dim3A_780 : vector<2x1024x1024xf32> to vector<1x2x1024x1024xf32>
    tpu.vector_store %arg2[%swap3A_781, %swap3A_782, %swap3A_783, %swap3A_784], %swap3A_787 {strides = array<i32>} : memref<4x2x1024x1024xf32, #tpu.memory_space<vmem>>, vector<1x2x1024x1024xf32>,
    %dma_start3A_788 = arith.constant 1 : i32
    %dma_start3A_789 = arith.constant 1 : i32
    %dma_start3A_790 = tpu.memref_slice %arg3[%dma_start3A_789] : memref<4x!tpu.dma_semaphore, #tpu.memory_space<semaphore_mem>> -> memref<1x!tpu.dma_semaphore, #tpu.memory_space<semaphore_mem>>
    %dma_start3A_791 = tpu.memref_squeeze %dma_start3A_790 : memref<1x!tpu.dma_semaphore, #tpu.memory_space<semaphore_mem>> -> memref<!tpu.dma_semaphore, #tpu.memory_space<semaphore_mem>>
    %dma_start3A_792 = arith.constant 42 : i32
    %dma_start3A_793 = arith.constant 0 : i32
    %dma_start3A_794 = arith.constant 0 : i32
    %dma_start3A_795 = tpu.memref_slice %arg1[%dma_start3A_792, %dma_start3A_793, %dma_start3A_794] : memref<50x1024x1024xf32, #tpu.memory_space<any>> -> memref<2x1024x1024xf32, #tpu.memory_space<any>>
    %dma_start3A_796 = arith.constant 0 : i32
    %dma_start3A_797 = arith.constant 0 : i32
    %dma_start3A_798 = arith.constant 0 : i32
    %dma_start3A_799 = tpu.memref_slice %arg2[%dma_start3A_788, %dma_start3A_796, %dma_start3A_797, %dma_start3A_798] : memref<4x2x1024x1024xf32, #tpu.memory_space<vmem>> -> memref<1x2x1024x1024xf32, #tpu.memory_space<vmem>>
    %dma_start3A_800 = tpu.memref_squeeze %dma_start3A_799 : memref<1x2x1024x1024xf32, #tpu.memory_space<vmem>> -> memref<2x1024x1024xf32, #tpu.memory_space<vmem>>
    tpu.enqueue_dma source(%dma_start3A_800 : memref<2x1024x1024xf32, #tpu.memory_space<vmem>>) target(%dma_start3A_795 : memref<2x1024x1024xf32, #tpu.memory_space<any>>) target_semaphore(%dma_start3A_791 : memref<!tpu.dma_semaphore, #tpu.memory_space<semaphore_mem>>)
    %dma_wait3A_801 = arith.constant 2 : i32
    %dma_wait3A_802 = arith.constant 2 : i32
    %dma_wait3A_803 = tpu.memref_slice %arg3[%dma_wait3A_802] : memref<4x!tpu.dma_semaphore, #tpu.memory_space<semaphore_mem>> -> memref<1x!tpu.dma_semaphore, #tpu.memory_space<semaphore_mem>>
    %dma_wait3A_804 = tpu.memref_squeeze %dma_wait3A_803 : memref<1x!tpu.dma_semaphore, #tpu.memory_space<semaphore_mem>> -> memref<!tpu.dma_semaphore, #tpu.memory_space<semaphore_mem>>
    %dma_wait3A_805 = arith.constant 36 : i32
    %dma_wait3A_806 = arith.constant 0 : i32
    %dma_wait3A_807 = arith.constant 0 : i32
    %dma_wait3A_808 = tpu.memref_slice %arg1[%dma_wait3A_805, %dma_wait3A_806, %dma_wait3A_807] : memref<50x1024x1024xf32, #tpu.memory_space<any>> -> memref<2x1024x1024xf32, #tpu.memory_space<any>>
    %dma_wait3A_809 = arith.constant 0 : i32
    %dma_wait3A_810 = arith.constant 0 : i32
    %dma_wait3A_811 = arith.constant 0 : i32
    %dma_wait3A_812 = tpu.memref_slice %arg2[%dma_wait3A_801, %dma_wait3A_809, %dma_wait3A_810, %dma_wait3A_811] : memref<4x2x1024x1024xf32, #tpu.memory_space<vmem>> -> memref<1x2x1024x1024xf32, #tpu.memory_space<vmem>>
    %dma_wait3A_813 = tpu.memref_squeeze %dma_wait3A_812 : memref<1x2x1024x1024xf32, #tpu.memory_space<vmem>> -> memref<2x1024x1024xf32, #tpu.memory_space<vmem>>
    tpu.wait_dma2 semaphore(%dma_wait3A_804 : memref<!tpu.dma_semaphore, #tpu.memory_space<semaphore_mem>>) src(%dma_wait3A_813 : memref<2x1024x1024xf32, #tpu.memory_space<vmem>>) dst(%dma_wait3A_808 : memref<2x1024x1024xf32, #tpu.memory_space<any>>)
    %get3A_814 = arith.constant 44 : index
    %get3A_815 = arith.constant 0 : index
    %get3A_816 = vector.load %arg0[%get3A_814, %get3A_815] : memref<50x1024xf32, #tpu.memory_space<vmem>>, vector<2x1024xf32>
    %broadcast_in_dim3A_817 = vector.shape_cast %get3A_816 : vector<2x1024xf32> to vector<2x1x1024xf32>
    %broadcast_in_dim3A_818 = vector.shape_cast %broadcast_in_dim3A_817 : vector<2x1x1024xf32> to vector<2x1x1024xf32>
    %broadcast_in_dim3A_819 = vector.broadcast %broadcast_in_dim3A_818 : vector<2x1x1024xf32> to vector<2x1024x1024xf32>
    %swap3A_820 = arith.constant 2 : index
    %swap3A_821 = arith.constant 0 : index
    %swap3A_822 = arith.constant 0 : index
    %swap3A_823 = arith.constant 0 : index
    %swap3A_824 = vector.load %arg2[%swap3A_820, %swap3A_821, %swap3A_822, %swap3A_823] : memref<4x2x1024x1024xf32, #tpu.memory_space<vmem>>, vector<1x2x1024x1024xf32>
    %swap3A_825 = vector.shape_cast %swap3A_824 : vector<1x2x1024x1024xf32> to vector<2x1024x1024xf32>
    %swap3A_826 = vector.shape_cast %broadcast_in_dim3A_819 : vector<2x1024x1024xf32> to vector<1x2x1024x1024xf32>
    tpu.vector_store %arg2[%swap3A_820, %swap3A_821, %swap3A_822, %swap3A_823], %swap3A_826 {strides = array<i32>} : memref<4x2x1024x1024xf32, #tpu.memory_space<vmem>>, vector<1x2x1024x1024xf32>,
    %dma_start3A_827 = arith.constant 2 : i32
    %dma_start3A_828 = arith.constant 2 : i32
    %dma_start3A_829 = tpu.memref_slice %arg3[%dma_start3A_828] : memref<4x!tpu.dma_semaphore, #tpu.memory_space<semaphore_mem>> -> memref<1x!tpu.dma_semaphore, #tpu.memory_space<semaphore_mem>>
    %dma_start3A_830 = tpu.memref_squeeze %dma_start3A_829 : memref<1x!tpu.dma_semaphore, #tpu.memory_space<semaphore_mem>> -> memref<!tpu.dma_semaphore, #tpu.memory_space<semaphore_mem>>
    %dma_start3A_831 = arith.constant 44 : i32
    %dma_start3A_832 = arith.constant 0 : i32
    %dma_start3A_833 = arith.constant 0 : i32
    %dma_start3A_834 = tpu.memref_slice %arg1[%dma_start3A_831, %dma_start3A_832, %dma_start3A_833] : memref<50x1024x1024xf32, #tpu.memory_space<any>> -> memref<2x1024x1024xf32, #tpu.memory_space<any>>
    %dma_start3A_835 = arith.constant 0 : i32
    %dma_start3A_836 = arith.constant 0 : i32
    %dma_start3A_837 = arith.constant 0 : i32
    %dma_start3A_838 = tpu.memref_slice %arg2[%dma_start3A_827, %dma_start3A_835, %dma_start3A_836, %dma_start3A_837] : memref<4x2x1024x1024xf32, #tpu.memory_space<vmem>> -> memref<1x2x1024x1024xf32, #tpu.memory_space<vmem>>
    %dma_start3A_839 = tpu.memref_squeeze %dma_start3A_838 : memref<1x2x1024x1024xf32, #tpu.memory_space<vmem>> -> memref<2x1024x1024xf32, #tpu.memory_space<vmem>>
    tpu.enqueue_dma source(%dma_start3A_839 : memref<2x1024x1024xf32, #tpu.memory_space<vmem>>) target(%dma_start3A_834 : memref<2x1024x1024xf32, #tpu.memory_space<any>>) target_semaphore(%dma_start3A_830 : memref<!tpu.dma_semaphore, #tpu.memory_space<semaphore_mem>>)
    %dma_wait3A_840 = arith.constant 3 : i32
    %dma_wait3A_841 = arith.constant 3 : i32
    %dma_wait3A_842 = tpu.memref_slice %arg3[%dma_wait3A_841] : memref<4x!tpu.dma_semaphore, #tpu.memory_space<semaphore_mem>> -> memref<1x!tpu.dma_semaphore, #tpu.memory_space<semaphore_mem>>
    %dma_wait3A_843 = tpu.memref_squeeze %dma_wait3A_842 : memref<1x!tpu.dma_semaphore, #tpu.memory_space<semaphore_mem>> -> memref<!tpu.dma_semaphore, #tpu.memory_space<semaphore_mem>>
    %dma_wait3A_844 = arith.constant 38 : i32
    %dma_wait3A_845 = arith.constant 0 : i32
    %dma_wait3A_846 = arith.constant 0 : i32
    %dma_wait3A_847 = tpu.memref_slice %arg1[%dma_wait3A_844, %dma_wait3A_845, %dma_wait3A_846] : memref<50x1024x1024xf32, #tpu.memory_space<any>> -> memref<2x1024x1024xf32, #tpu.memory_space<any>>
    %dma_wait3A_848 = arith.constant 0 : i32
    %dma_wait3A_849 = arith.constant 0 : i32
    %dma_wait3A_850 = arith.constant 0 : i32
    %dma_wait3A_851 = tpu.memref_slice %arg2[%dma_wait3A_840, %dma_wait3A_848, %dma_wait3A_849, %dma_wait3A_850] : memref<4x2x1024x1024xf32, #tpu.memory_space<vmem>> -> memref<1x2x1024x1024xf32, #tpu.memory_space<vmem>>
    %dma_wait3A_852 = tpu.memref_squeeze %dma_wait3A_851 : memref<1x2x1024x1024xf32, #tpu.memory_space<vmem>> -> memref<2x1024x1024xf32, #tpu.memory_space<vmem>>
    tpu.wait_dma2 semaphore(%dma_wait3A_843 : memref<!tpu.dma_semaphore, #tpu.memory_space<semaphore_mem>>) src(%dma_wait3A_852 : memref<2x1024x1024xf32, #tpu.memory_space<vmem>>) dst(%dma_wait3A_847 : memref<2x1024x1024xf32, #tpu.memory_space<any>>)
    %get3A_853 = arith.constant 46 : index
    %get3A_854 = arith.constant 0 : index
    %get3A_855 = vector.load %arg0[%get3A_853, %get3A_854] : memref<50x1024xf32, #tpu.memory_space<vmem>>, vector<2x1024xf32>
    %broadcast_in_dim3A_856 = vector.shape_cast %get3A_855 : vector<2x1024xf32> to vector<2x1x1024xf32>
    %broadcast_in_dim3A_857 = vector.shape_cast %broadcast_in_dim3A_856 : vector<2x1x1024xf32> to vector<2x1x1024xf32>
    %broadcast_in_dim3A_858 = vector.broadcast %broadcast_in_dim3A_857 : vector<2x1x1024xf32> to vector<2x1024x1024xf32>
    %swap3A_859 = arith.constant 3 : index
    %swap3A_860 = arith.constant 0 : index
    %swap3A_861 = arith.constant 0 : index
    %swap3A_862 = arith.constant 0 : index
    %swap3A_863 = vector.load %arg2[%swap3A_859, %swap3A_860, %swap3A_861, %swap3A_862] : memref<4x2x1024x1024xf32, #tpu.memory_space<vmem>>, vector<1x2x1024x1024xf32>
    %swap3A_864 = vector.shape_cast %swap3A_863 : vector<1x2x1024x1024xf32> to vector<2x1024x1024xf32>
    %swap3A_865 = vector.shape_cast %broadcast_in_dim3A_858 : vector<2x1024x1024xf32> to vector<1x2x1024x1024xf32>
    tpu.vector_store %arg2[%swap3A_859, %swap3A_860, %swap3A_861, %swap3A_862], %swap3A_865 {strides = array<i32>} : memref<4x2x1024x1024xf32, #tpu.memory_space<vmem>>, vector<1x2x1024x1024xf32>,
    %dma_start3A_866 = arith.constant 3 : i32
    %dma_start3A_867 = arith.constant 3 : i32
    %dma_start3A_868 = tpu.memref_slice %arg3[%dma_start3A_867] : memref<4x!tpu.dma_semaphore, #tpu.memory_space<semaphore_mem>> -> memref<1x!tpu.dma_semaphore, #tpu.memory_space<semaphore_mem>>
    %dma_start3A_869 = tpu.memref_squeeze %dma_start3A_868 : memref<1x!tpu.dma_semaphore, #tpu.memory_space<semaphore_mem>> -> memref<!tpu.dma_semaphore, #tpu.memory_space<semaphore_mem>>
    %dma_start3A_870 = arith.constant 46 : i32
    %dma_start3A_871 = arith.constant 0 : i32
    %dma_start3A_872 = arith.constant 0 : i32
    %dma_start3A_873 = tpu.memref_slice %arg1[%dma_start3A_870, %dma_start3A_871, %dma_start3A_872] : memref<50x1024x1024xf32, #tpu.memory_space<any>> -> memref<2x1024x1024xf32, #tpu.memory_space<any>>
    %dma_start3A_874 = arith.constant 0 : i32
    %dma_start3A_875 = arith.constant 0 : i32
    %dma_start3A_876 = arith.constant 0 : i32
    %dma_start3A_877 = tpu.memref_slice %arg2[%dma_start3A_866, %dma_start3A_874, %dma_start3A_875, %dma_start3A_876] : memref<4x2x1024x1024xf32, #tpu.memory_space<vmem>> -> memref<1x2x1024x1024xf32, #tpu.memory_space<vmem>>
    %dma_start3A_878 = tpu.memref_squeeze %dma_start3A_877 : memref<1x2x1024x1024xf32, #tpu.memory_space<vmem>> -> memref<2x1024x1024xf32, #tpu.memory_space<vmem>>
    tpu.enqueue_dma source(%dma_start3A_878 : memref<2x1024x1024xf32, #tpu.memory_space<vmem>>) target(%dma_start3A_873 : memref<2x1024x1024xf32, #tpu.memory_space<any>>) target_semaphore(%dma_start3A_869 : memref<!tpu.dma_semaphore, #tpu.memory_space<semaphore_mem>>)
    %dma_wait3A_879 = arith.constant 0 : i32
    %dma_wait3A_880 = arith.constant 0 : i32
    %dma_wait3A_881 = tpu.memref_slice %arg3[%dma_wait3A_880] : memref<4x!tpu.dma_semaphore, #tpu.memory_space<semaphore_mem>> -> memref<1x!tpu.dma_semaphore, #tpu.memory_space<semaphore_mem>>
    %dma_wait3A_882 = tpu.memref_squeeze %dma_wait3A_881 : memref<1x!tpu.dma_semaphore, #tpu.memory_space<semaphore_mem>> -> memref<!tpu.dma_semaphore, #tpu.memory_space<semaphore_mem>>
    %dma_wait3A_883 = arith.constant 40 : i32
    %dma_wait3A_884 = arith.constant 0 : i32
    %dma_wait3A_885 = arith.constant 0 : i32
    %dma_wait3A_886 = tpu.memref_slice %arg1[%dma_wait3A_883, %dma_wait3A_884, %dma_wait3A_885] : memref<50x1024x1024xf32, #tpu.memory_space<any>> -> memref<2x1024x1024xf32, #tpu.memory_space<any>>
    %dma_wait3A_887 = arith.constant 0 : i32
    %dma_wait3A_888 = arith.constant 0 : i32
    %dma_wait3A_889 = arith.constant 0 : i32
    %dma_wait3A_890 = tpu.memref_slice %arg2[%dma_wait3A_879, %dma_wait3A_887, %dma_wait3A_888, %dma_wait3A_889] : memref<4x2x1024x1024xf32, #tpu.memory_space<vmem>> -> memref<1x2x1024x1024xf32, #tpu.memory_space<vmem>>
    %dma_wait3A_891 = tpu.memref_squeeze %dma_wait3A_890 : memref<1x2x1024x1024xf32, #tpu.memory_space<vmem>> -> memref<2x1024x1024xf32, #tpu.memory_space<vmem>>
    tpu.wait_dma2 semaphore(%dma_wait3A_882 : memref<!tpu.dma_semaphore, #tpu.memory_space<semaphore_mem>>) src(%dma_wait3A_891 : memref<2x1024x1024xf32, #tpu.memory_space<vmem>>) dst(%dma_wait3A_886 : memref<2x1024x1024xf32, #tpu.memory_space<any>>)
    %get3A_892 = arith.constant 48 : index
    %get3A_893 = arith.constant 0 : index
    %get3A_894 = vector.load %arg0[%get3A_892, %get3A_893] : memref<50x1024xf32, #tpu.memory_space<vmem>>, vector<2x1024xf32>
    %broadcast_in_dim3A_895 = vector.shape_cast %get3A_894 : vector<2x1024xf32> to vector<2x1x1024xf32>
    %broadcast_in_dim3A_896 = vector.shape_cast %broadcast_in_dim3A_895 : vector<2x1x1024xf32> to vector<2x1x1024xf32>
    %broadcast_in_dim3A_897 = vector.broadcast %broadcast_in_dim3A_896 : vector<2x1x1024xf32> to vector<2x1024x1024xf32>
    %swap3A_898 = arith.constant 0 : index
    %swap3A_899 = arith.constant 0 : index
    %swap3A_900 = arith.constant 0 : index
    %swap3A_901 = arith.constant 0 : index
    %swap3A_902 = vector.load %arg2[%swap3A_898, %swap3A_899, %swap3A_900, %swap3A_901] : memref<4x2x1024x1024xf32, #tpu.memory_space<vmem>>, vector<1x2x1024x1024xf32>
    %swap3A_903 = vector.shape_cast %swap3A_902 : vector<1x2x1024x1024xf32> to vector<2x1024x1024xf32>
    %swap3A_904 = vector.shape_cast %broadcast_in_dim3A_897 : vector<2x1024x1024xf32> to vector<1x2x1024x1024xf32>
    tpu.vector_store %arg2[%swap3A_898, %swap3A_899, %swap3A_900, %swap3A_901], %swap3A_904 {strides = array<i32>} : memref<4x2x1024x1024xf32, #tpu.memory_space<vmem>>, vector<1x2x1024x1024xf32>,
    %dma_start3A_905 = arith.constant 0 : i32
    %dma_start3A_906 = arith.constant 0 : i32
    %dma_start3A_907 = tpu.memref_slice %arg3[%dma_start3A_906] : memref<4x!tpu.dma_semaphore, #tpu.memory_space<semaphore_mem>> -> memref<1x!tpu.dma_semaphore, #tpu.memory_space<semaphore_mem>>
    %dma_start3A_908 = tpu.memref_squeeze %dma_start3A_907 : memref<1x!tpu.dma_semaphore, #tpu.memory_space<semaphore_mem>> -> memref<!tpu.dma_semaphore, #tpu.memory_space<semaphore_mem>>
    %dma_start3A_909 = arith.constant 48 : i32
    %dma_start3A_910 = arith.constant 0 : i32
    %dma_start3A_911 = arith.constant 0 : i32
    %dma_start3A_912 = tpu.memref_slice %arg1[%dma_start3A_909, %dma_start3A_910, %dma_start3A_911] : memref<50x1024x1024xf32, #tpu.memory_space<any>> -> memref<2x1024x1024xf32, #tpu.memory_space<any>>
    %dma_start3A_913 = arith.constant 0 : i32
    %dma_start3A_914 = arith.constant 0 : i32
    %dma_start3A_915 = arith.constant 0 : i32
    %dma_start3A_916 = tpu.memref_slice %arg2[%dma_start3A_905, %dma_start3A_913, %dma_start3A_914, %dma_start3A_915] : memref<4x2x1024x1024xf32, #tpu.memory_space<vmem>> -> memref<1x2x1024x1024xf32, #tpu.memory_space<vmem>>
    %dma_start3A_917 = tpu.memref_squeeze %dma_start3A_916 : memref<1x2x1024x1024xf32, #tpu.memory_space<vmem>> -> memref<2x1024x1024xf32, #tpu.memory_space<vmem>>
    tpu.enqueue_dma source(%dma_start3A_917 : memref<2x1024x1024xf32, #tpu.memory_space<vmem>>) target(%dma_start3A_912 : memref<2x1024x1024xf32, #tpu.memory_space<any>>) target_semaphore(%dma_start3A_908 : memref<!tpu.dma_semaphore, #tpu.memory_space<semaphore_mem>>)
    %dma_wait3A_918 = arith.constant 1 : i32
    %dma_wait3A_919 = arith.constant 1 : i32
    %dma_wait3A_920 = tpu.memref_slice %arg3[%dma_wait3A_919] : memref<4x!tpu.dma_semaphore, #tpu.memory_space<semaphore_mem>> -> memref<1x!tpu.dma_semaphore, #tpu.memory_space<semaphore_mem>>
    %dma_wait3A_921 = tpu.memref_squeeze %dma_wait3A_920 : memref<1x!tpu.dma_semaphore, #tpu.memory_space<semaphore_mem>> -> memref<!tpu.dma_semaphore, #tpu.memory_space<semaphore_mem>>
    %dma_wait3A_922 = arith.constant 42 : i32
    %dma_wait3A_923 = arith.constant 0 : i32
    %dma_wait3A_924 = arith.constant 0 : i32
    %dma_wait3A_925 = tpu.memref_slice %arg1[%dma_wait3A_922, %dma_wait3A_923, %dma_wait3A_924] : memref<50x1024x1024xf32, #tpu.memory_space<any>> -> memref<2x1024x1024xf32, #tpu.memory_space<any>>
    %dma_wait3A_926 = arith.constant 0 : i32
    %dma_wait3A_927 = arith.constant 0 : i32
    %dma_wait3A_928 = arith.constant 0 : i32
    %dma_wait3A_929 = tpu.memref_slice %arg2[%dma_wait3A_918, %dma_wait3A_926, %dma_wait3A_927, %dma_wait3A_928] : memref<4x2x1024x1024xf32, #tpu.memory_space<vmem>> -> memref<1x2x1024x1024xf32, #tpu.memory_space<vmem>>
    %dma_wait3A_930 = tpu.memref_squeeze %dma_wait3A_929 : memref<1x2x1024x1024xf32, #tpu.memory_space<vmem>> -> memref<2x1024x1024xf32, #tpu.memory_space<vmem>>
    tpu.wait_dma2 semaphore(%dma_wait3A_921 : memref<!tpu.dma_semaphore, #tpu.memory_space<semaphore_mem>>) src(%dma_wait3A_930 : memref<2x1024x1024xf32, #tpu.memory_space<vmem>>) dst(%dma_wait3A_925 : memref<2x1024x1024xf32, #tpu.memory_space<any>>)
    %dma_wait3A_931 = arith.constant 2 : i32
    %dma_wait3A_932 = arith.constant 2 : i32
    %dma_wait3A_933 = tpu.memref_slice %arg3[%dma_wait3A_932] : memref<4x!tpu.dma_semaphore, #tpu.memory_space<semaphore_mem>> -> memref<1x!tpu.dma_semaphore, #tpu.memory_space<semaphore_mem>>
    %dma_wait3A_934 = tpu.memref_squeeze %dma_wait3A_933 : memref<1x!tpu.dma_semaphore, #tpu.memory_space<semaphore_mem>> -> memref<!tpu.dma_semaphore, #tpu.memory_space<semaphore_mem>>
    %dma_wait3A_935 = arith.constant 44 : i32
    %dma_wait3A_936 = arith.constant 0 : i32
    %dma_wait3A_937 = arith.constant 0 : i32
    %dma_wait3A_938 = tpu.memref_slice %arg1[%dma_wait3A_935, %dma_wait3A_936, %dma_wait3A_937] : memref<50x1024x1024xf32, #tpu.memory_space<any>> -> memref<2x1024x1024xf32, #tpu.memory_space<any>>
    %dma_wait3A_939 = arith.constant 0 : i32
    %dma_wait3A_940 = arith.constant 0 : i32
    %dma_wait3A_941 = arith.constant 0 : i32
    %dma_wait3A_942 = tpu.memref_slice %arg2[%dma_wait3A_931, %dma_wait3A_939, %dma_wait3A_940, %dma_wait3A_941] : memref<4x2x1024x1024xf32, #tpu.memory_space<vmem>> -> memref<1x2x1024x1024xf32, #tpu.memory_space<vmem>>
    %dma_wait3A_943 = tpu.memref_squeeze %dma_wait3A_942 : memref<1x2x1024x1024xf32, #tpu.memory_space<vmem>> -> memref<2x1024x1024xf32, #tpu.memory_space<vmem>>
    tpu.wait_dma2 semaphore(%dma_wait3A_934 : memref<!tpu.dma_semaphore, #tpu.memory_space<semaphore_mem>>) src(%dma_wait3A_943 : memref<2x1024x1024xf32, #tpu.memory_space<vmem>>) dst(%dma_wait3A_938 : memref<2x1024x1024xf32, #tpu.memory_space<any>>)
    %dma_wait3A_944 = arith.constant 3 : i32
    %dma_wait3A_945 = arith.constant 3 : i32
    %dma_wait3A_946 = tpu.memref_slice %arg3[%dma_wait3A_945] : memref<4x!tpu.dma_semaphore, #tpu.memory_space<semaphore_mem>> -> memref<1x!tpu.dma_semaphore, #tpu.memory_space<semaphore_mem>>
    %dma_wait3A_947 = tpu.memref_squeeze %dma_wait3A_946 : memref<1x!tpu.dma_semaphore, #tpu.memory_space<semaphore_mem>> -> memref<!tpu.dma_semaphore, #tpu.memory_space<semaphore_mem>>
    %dma_wait3A_948 = arith.constant 46 : i32
    %dma_wait3A_949 = arith.constant 0 : i32
    %dma_wait3A_950 = arith.constant 0 : i32
    %dma_wait3A_951 = tpu.memref_slice %arg1[%dma_wait3A_948, %dma_wait3A_949, %dma_wait3A_950] : memref<50x1024x1024xf32, #tpu.memory_space<any>> -> memref<2x1024x1024xf32, #tpu.memory_space<any>>
    %dma_wait3A_952 = arith.constant 0 : i32
    %dma_wait3A_953 = arith.constant 0 : i32
    %dma_wait3A_954 = arith.constant 0 : i32
    %dma_wait3A_955 = tpu.memref_slice %arg2[%dma_wait3A_944, %dma_wait3A_952, %dma_wait3A_953, %dma_wait3A_954] : memref<4x2x1024x1024xf32, #tpu.memory_space<vmem>> -> memref<1x2x1024x1024xf32, #tpu.memory_space<vmem>>
    %dma_wait3A_956 = tpu.memref_squeeze %dma_wait3A_955 : memref<1x2x1024x1024xf32, #tpu.memory_space<vmem>> -> memref<2x1024x1024xf32, #tpu.memory_space<vmem>>
    tpu.wait_dma2 semaphore(%dma_wait3A_947 : memref<!tpu.dma_semaphore, #tpu.memory_space<semaphore_mem>>) src(%dma_wait3A_956 : memref<2x1024x1024xf32, #tpu.memory_space<vmem>>) dst(%dma_wait3A_951 : memref<2x1024x1024xf32, #tpu.memory_space<any>>)
    %dma_wait3A_957 = arith.constant 0 : i32
    %dma_wait3A_958 = arith.constant 0 : i32
    %dma_wait3A_959 = tpu.memref_slice %arg3[%dma_wait3A_958] : memref<4x!tpu.dma_semaphore, #tpu.memory_space<semaphore_mem>> -> memref<1x!tpu.dma_semaphore, #tpu.memory_space<semaphore_mem>>
    %dma_wait3A_960 = tpu.memref_squeeze %dma_wait3A_959 : memref<1x!tpu.dma_semaphore, #tpu.memory_space<semaphore_mem>> -> memref<!tpu.dma_semaphore, #tpu.memory_space<semaphore_mem>>
    %dma_wait3A_961 = arith.constant 48 : i32
    %dma_wait3A_962 = arith.constant 0 : i32
    %dma_wait3A_963 = arith.constant 0 : i32
    %dma_wait3A_964 = tpu.memref_slice %arg1[%dma_wait3A_961, %dma_wait3A_962, %dma_wait3A_963] : memref<50x1024x1024xf32, #tpu.memory_space<any>> -> memref<2x1024x1024xf32, #tpu.memory_space<any>>
    %dma_wait3A_965 = arith.constant 0 : i32
    %dma_wait3A_966 = arith.constant 0 : i32
    %dma_wait3A_967 = arith.constant 0 : i32
    %dma_wait3A_968 = tpu.memref_slice %arg2[%dma_wait3A_957, %dma_wait3A_965, %dma_wait3A_966, %dma_wait3A_967] : memref<4x2x1024x1024xf32, #tpu.memory_space<vmem>> -> memref<1x2x1024x1024xf32, #tpu.memory_space<vmem>>
    %dma_wait3A_969 = tpu.memref_squeeze %dma_wait3A_968 : memref<1x2x1024x1024xf32, #tpu.memory_space<vmem>> -> memref<2x1024x1024xf32, #tpu.memory_space<vmem>>
    tpu.wait_dma2 semaphore(%dma_wait3A_960 : memref<!tpu.dma_semaphore, #tpu.memory_space<semaphore_mem>>) src(%dma_wait3A_969 : memref<2x1024x1024xf32, #tpu.memory_space<vmem>>) dst(%dma_wait3A_964 : memref<2x1024x1024xf32, #tpu.memory_space<any>>)
    return
  }
}

</mosaic_0001>

<sc_bundles>
// kernel: kernel.4.cloned.1.call-start
scs
__scs_entry_jumppad:
0x0: {  	(pc) =	sbr.rel $0x88, $3  }
0x1: {  	(tag) =	ssettag $0x0;
	lr =	simm.s32 $0x1  }
0x2: {  	[smem:$0x3FA0] =	sst lr;
	_ =	strace $0xD0000000  }
0x3: {  	_ = 	snop  }
0x4: {  	_ = 	snop  }
0x5: {  	_ = 	snop  }
0x6: {  	_ = 	snop  }
0x7: {  	_ = 	snop  }
__scs_overlays_trampoline_lowered:
0x8: {  	[smem:$0x3FAF] =	sst s0  }
0x9: {  	[smem:$0x3FB0] =	sst s1  }
0xa: {  	[smem:$0x3FB1] =	sst s2  }
0xb: {  	[smem:$0x3FB2] =	sst s3  }
0xc: {  	[smem:$0x3FB3] =	sst s4  }
0xd: {  	[smem:$0x3FB4] =	sst s5  }
0xe: {  	[smem:$0x3FB5] =	sst s6  }
0xf: {  	[smem:$0x3FB6] =	sst s7  }
0x10: {  	[smem:$0x3FB7] =	sst s8  }
0x11: {  	[smem:$0x3FB8] =	sst s9;
	s0 =	simm.s32 @!p0 $0x0  }
0x12: {  	s1 =	sld [smem:$0x3F9E];
	s0 =	simm.s32 @p0 $0x1  }
0x13: {  	[smem:$0x3FB9] =	sst s0;
	s0 =	simm.s32 @!p1 $0x0  }
0x14: {  	s2 =	sld [smem:$0x3F9D];
	s0 =	simm.s32 @p1 $0x1  }
0x15: {  	[smem:$0x3FBA] =	sst s0;
	s0 =	simm.s32 @!p2 $0x0  }
0x16: {  	s3 =	sld [smem:$0x3FDB];
	s0 =	simm.s32 @p2 $0x1  }
0x17: {  	s4 =	simm.s32 $0x1BF5;
	[smem:$0x3FBC] =	sst s0  }
0x18: {  	s0 =	sld [smem:$0x3F9F];
	_ =	swait.ge [sflag:s4], $0x0  }
0x19: {  	s7 =	sld [smem:$0x3FA0]  }
0x1a: {  	s8 =	sadd.s32 $0xFFFFE003, lr  }
0x1b: {  	s9 =	sadd.s32 $0xFFFFFEF7, lr;
	s5 =	simm.s32 $0xFFFFFFFF;
	p2 =	slt.u32 s8, $0xFFFFF086  }
0x1c: {  	p1 =	slt.u32 s9, $0xF7A;
	s5 =	simm.s32 @!p2 $0x0  }
0x1d: {  	s5 =	simm.s32 @p1 $0x1;
	p0 =	seq.s32 s7, s2  }
0x1e: {  	s7 =	smul.u32 @!p0 $0xF7A, s2;
	p2 =	seq.s32 @!p0 s5, $0x0  }
0x1f: {  	s9 =	smul.u32 $0xF7A, s1;
	s8 =	simm.s32 @!p0 $0x1BF5;
	p2 =	por !p2, p0  }
0x20: {  	[sflag:s8] =	ssyncset.s32 @!p0 $0xFFFFF086;
	s6 =	sadd.s32 @!p0 s3, s7;
	s7 =	simm.s32 @!p0 $0x108  }
0x21: {  	s3 =	sadd.s32 s3, s9;
	s6 =	sadd.s32 @!p0 $0x88, s6;
	s7 =	simm.s32 @p2 $0x1082  }
0x22: {  	[simem:s7], [sflag:s8] =	dma.local @!p0 [hbm:s6], $0xF7A  }
0x23: {  	s9 =	sor.u32 $0xD0000000, s2;
	s6 =	simm.s32 $0x108;
	_ =	swait.ge @!p0 [sflag:s8], $0x0  }
0x24: {  	s3 =	sadd.s32 $0x88, s3;
	s6 =	simm.s32 @!p1 $0x1082;
	[sflag:s4] =	ssyncset.s32 $0xFFFFF086  }
0x25: {  	[simem:s6], [sflag:s4] =	dma.local [hbm:s3], $0xF7A  }
0x26: {  	[smem:$0x3FA0] =	sst s1;
	(tag) =	ssettag s2;
	_ =	strace s9  }
0x27: {  	s1 =	sld [smem:$0x3FB0]  }
0x28: {  	s2 =	sld [smem:$0x3FB1]  }
0x29: {  	s4 =	sld [smem:$0x3FB3]  }
0x2a: {  	p0 =	seq.s32 s5, $0x0;
	s5 =	sld [smem:$0x3FB4]  }
0x2b: {  	s6 =	sld [smem:$0x3FB5]  }
0x2c: {  	s7 =	sld [smem:$0x3FB6]  }
0x2d: {  	s3 =	simm.s32 $0x108;
	s8 =	sld [smem:$0x3FB7]  }
0x2e: {  	s3 =	simm.s32 @!p0 $0x1082;
	s9 =	sld [smem:$0x3FB8]  }
0x2f: {  	lr =	sadd.s32 s0, s3;
	s0 =	sld [smem:$0x3FAF]  }
0x30: {  	s3 =	sld [smem:$0x3FB2]  }
0x31: {  	[smem:$0x3FBB] =	sst s10  }
0x32: {  	s10 =	sld [smem:$0x3FB9];
	_ =	sdelay $0x3  }
0x33: {  	p0 =	seq.s32 s10, $0x1;
	s10 =	sld [smem:$0x3FBB];
	_ =	sdelay $0x3  }
0x34: {  	[smem:$0x3FBB] =	sst s10  }
0x35: {  	s10 =	sld [smem:$0x3FBA];
	_ =	sdelay $0x3  }
0x36: {  	p1 =	seq.s32 s10, $0x1;
	s10 =	sld [smem:$0x3FBB];
	_ =	sdelay $0x3  }
0x37: {  	[smem:$0x3FBB] =	sst s10  }
0x38: {  	s10 =	sld [smem:$0x3FBC]  }
0x39: {  	_ = 	snop;
	(pc) =	sbr.ind lr, $3  }
0x3a: {  	_ = 	snop  }
0x3b: {  	_ = 	snop  }
0x3c: {  	p2 =	seq.s32 s10, $0x1;
	s10 =	sld [smem:$0x3FBB]  }
0x3d: {  	_ =	shalt  }
0x3e: {  	_ =	shalt  }
0x3f: {  	_ =	shalt  }
0x40: {  	_ =	shalt  }
0x41: {  	_ =	shalt  }
0x42: {  	_ =	shalt  }
0x43: {  	_ =	shalt  }
0x44: {  	_ =	shalt  }
0x45: {  	_ =	shalt  }
0x46: {  	_ =	shalt  }
0x47: {  	_ =	shalt  }
0x48: {  	_ =	shalt  }
0x49: {  	_ =	shalt  }
0x4a: {  	_ =	shalt  }
0x4b: {  	_ =	shalt  }
0x4c: {  	_ =	shalt  }
0x4d: {  	_ =	shalt  }
0x4e: {  	_ =	shalt  }
0x4f: {  	_ =	shalt  }
0x50: {  	_ =	shalt  }
0x51: {  	_ =	shalt  }
0x52: {  	_ =	shalt  }
0x53: {  	_ =	shalt  }
0x54: {  	_ =	shalt  }
0x55: {  	_ =	shalt  }
0x56: {  	_ =	shalt  }
0x57: {  	_ =	shalt  }
0x58: {  	_ =	shalt  }
0x59: {  	_ =	shalt  }
0x5a: {  	_ =	shalt  }
0x5b: {  	_ =	shalt  }
0x5c: {  	_ =	shalt  }
0x5d: {  	_ =	shalt  }
0x5e: {  	_ =	shalt  }
0x5f: {  	_ =	shalt  }
0x60: {  	_ =	shalt  }
0x61: {  	_ =	shalt  }
0x62: {  	_ =	shalt  }
0x63: {  	_ =	shalt  }
0x64: {  	_ =	shalt  }
0x65: {  	_ =	shalt  }
0x66: {  	_ =	shalt  }
0x67: {  	_ =	shalt  }
0x68: {  	_ =	shalt  }
0x69: {  	_ =	shalt  }
0x6a: {  	_ =	shalt  }
0x6b: {  	_ =	shalt  }
0x6c: {  	_ =	shalt  }
0x6d: {  	_ =	shalt  }
0x6e: {  	_ =	shalt  }
0x6f: {  	_ =	shalt  }
0x70: {  	_ =	shalt  }
0x71: {  	_ =	shalt  }
0x72: {  	_ =	shalt  }
0x73: {  	_ =	shalt  }
0x74: {  	_ =	shalt  }
0x75: {  	_ =	shalt  }
0x76: {  	_ =	shalt  }
0x77: {  	_ =	shalt  }
0x78: {  	_ =	shalt  }
0x79: {  	_ =	shalt  }
0x7a: {  	_ =	shalt  }
0x7b: {  	_ =	shalt  }
0x7c: {  	_ =	shalt  }
0x7d: {  	_ =	shalt  }
0x7e: {  	_ =	shalt  }
0x7f: {  	_ =	shalt  }
0x80: {  	_ =	shalt  }
0x81: {  	_ =	shalt  }
0x82: {  	_ =	shalt  }
0x83: {  	_ =	shalt  }
0x84: {  	_ =	shalt  }
0x85: {  	_ =	shalt  }
0x86: {  	_ =	shalt  }
0x87: {  	_ =	shalt  }
.Lfunc_end0:
.L_simem_size_0:
called_computation_lowered:
.L_overlay_start_0:
0x88: {  	s2 =	sld [smem:$0x3FD9]  }
0x89: {  	s3 =	sld [smem:$0x3FFE];
	_ =	sdelay $0x1  }
0x8a: {  	s1 =	srdreg.scid  }
0x8b: {  	s0 =	sand.u32 $0x1, s1  }
0x8c: {  	s15 =	sshll.u32 s0, $0xA;
	s2 =	sadd.s32 s3, s2  }
0x8d: {  	s2 =	sadd.s32 s2, s15  }
0x8e: {  	[smem:$0x3FC7] =	sst s2  }
0x8f: {  	_ = 	snop  }
0x90: {  	s2 =	sld [smem:$0x3FD0];
	_ =	sdelay $0x2  }
0x91: {  	s16 =	simm.s32 $0xA;
	s4 =	simm.s32 $0x10  }
0x92: {  	[smem:s4], [sflag:s16] =	dma.local [hbm:s2], $0x1  }
0x93: {  	_ =	swait.eq [sflag:s16], $0x1  }
0x94: {  	[sflag:s16] =	ssyncset.done $0x0  }
0x95: {  	[sflag:s16] =	ssyncadd.s32 $0xFFFFFFFF  }
0x96: {  	s17 =	sld [smem:$0x11];
	(tm) =	ssettm $0x1  }
0x97: {  	s18 =	sld [smem:$0x3FFB];
	_ =	sdelay $0x3  }
0x98: {  	_ =	strace s18  }
0x99: {  	s3 =	sld [smem:$0x3FFC];
	_ =	sdelay $0x3  }
0x9a: {  	_ =	strace s3  }
0x9b: {  	s3 =	sld [smem:$0x3FFD];
	_ =	sdelay $0x3  }
0x9c: {  	_ =	strace s3  }
0x9d: {  	_ =	strace $0x8FFFFFFF  }
0x9e: {  	s19 =	sld [smem:$0x3FDB];
	_ =	sdelay $0x1  }
0x9f: {  	s20 =	simm.s32 $_scs_section_size  }
0xa0: {  	s5 =	simm.s32 $_size__tile_overlayer_lowered;
	s6 =	simm.s32 $_tile_overlayer_lowered  }
0xa1: {  	s23 =	simm.s32 $0x1BFF;
	s22 =	sshll.u32 s6, $0x1;
	s3 =	sadd.s32 s20, s19  }
0xa2: {  	s7 =	simm.s32 $0x0;
	s21 =	sshll.u32 s5, $0x1;
	s5 =	sadd.s32 s22, s3  }
0xa3: {  	[timem:s7], [sflag:s23] =	dma.local [hbm:s5], s21  }
0xa4: {  	_ =	swait.ge [sflag:s23], s21  }
0xa5: {  	s4 =	ssub.s32 $0x0, s21;
	[sflag:s23] =	ssyncset.done $0x0  }
0xa6: {  	[sflag:s23] =	ssyncadd.s32 s4;
	_ =	sdelay $0x1  }
0xa7: {  	s24 =	simm.s32 $0x1B8B  }
0xa8: {  	_ =	swait.ge [sflag:s24], $0x1  }
0xa9: {  	[sflag:s24] =	ssyncset.done $0x0  }
0xaa: {  	s25 =	simm.s32 $0x1B8E;
	[sflag:s24] =	ssyncadd.s32 $0xFFFFFFFF  }
0xab: {  	s26 =	simm.s32 $execute0_lowered;
	[smem:$0x3FD2] =	sst s25  }
0xac: {  	s4 =	sshll.u32 s26, $0x1;
	_ =	strace $0x80000046;
	[dreg:$0x1] =	wrdreg $0xFFFFFFFF  }
0xad: {  	s28 =	simm.s32 $_size_execute0_lowered;
	s3 =	sadd.s32 s3, s4;
	[dreg:$0x0] =	wrdreg $0x0  }
0xae: {  	s4 =	sshll.u32 s28, $0x1;
	[dreg:$0x2] =	wrdreg s3  }
0xaf: {  	[dreg:$0x3] =	wrdreg s4  }
0xb0: {  	[dreg:$0x4] =	wrdreg $0xC0  }
0xb1: {  	_ =	task [dreg:s7], $0x5FFFF  }
0xb2: {  	[dreg:$0x1] =	wrdreg $0xFFFFFFFF  }
0xb3: {  	[dreg:$0x0] =	wrdreg $0x60  }
0xb4: {  	[dreg:$0x2] =	wrdreg s17  }
0xb5: {  	[dreg:$0x3] =	wrdreg $0x9  }
0xb6: {  	_ =	task.clear_ibuf [dreg:s7], $0x4FFFF;
	_ =	strace $0x90000046  }
0xb7: {  	s29 =	simm.s32 $0x9;
	_ =	strace $0x80000048  }
0xb8: {  	_ =	swait.ge [sflag:s29], $0x1  }
0xb9: {  	[sflag:s29] =	ssyncadd.s32 $0xFFFFFFFF  }
0xba: {  	_ =	strace $0x90000048  }
0xbb: {  	_ =	sfence  }
0xbc: {  	s30 =	sld [smem:$0x0];
	_ =	sdelay $0x2  }
0xbd: {  	s31 =	sshll.u32 s1, $0xD;
	s1 =	sshrl.u32 s1, $0x2  }
0xbe: {  	s3 =	sand.u32 $0x4000, s31;
	s1 =	sadd.s32 s1, s30  }
0xbf: {  	s0 =	sor.u32 s3, s0;
	s1 =	sshll.u32 s1, $0x11  }
0xc0: {  	s0 =	sor.u32 s1, s0  }
0xc1: {  	s0 =	sadd.s32 $0x8F2B, s0  }
0xc2: {  	[sflag:s0] =	ssyncadd.remote.s32 $0x1  }
0xc3: {  	_ =	sfence.sel $0xFFFF  }
0xc4: {  	[dreg:$0x0] =	wrdreg $0xFFFFFFFF;
	(pc) =	sbr.abs _section_cstart, $3  }
0xc5: {  	[dreg:$0x1] =	wrdreg $0xFFFFFFFF  }
0xc6: {  	_ =	task.clear_ibuf [dreg:s7], $0x2FFFF;
	_ =	strace $0x9FFFFFFF  }
0xc7: {  	(tm) =	ssettm $0x7FFFFFFF  }
tec
execute0_lowered:
.L_overlay_start_1:
0x0: {  	(tag) =	ssettag $0x1  }
0x1: {  	s1 =	srdreg.scid  }
0x2: {  	s0 =	stileid.u32;
	s3 =	rddreg [dreg:$0x0]  }
0x3: {  	s4 =	sand.u32 $0x1, s1;
	s2 =	sshll.u32 s0, $0x1;
	s1 =	rddreg [dreg:$0x1]  }
0x4: {  	s5 =	sor.u32 s4, s2;
	s2 =	simm.s32 $0x0;
	s4 =	ssub.s32 $0x2, s4  }
0x5: {  	s5 =	smul.u32 $0xC8, s5;
	[smem:$0x7FF] =	sst s2;
	s6 =	sshrl.u32 s4, $0x1  }
0x6: {  	_ =	strace $0x80000047;
	s4 =	ssub.s32 s4, s6;
	s6 =	simm.s32 $0x0  }
0x7: {  	v0 =	vimm.f32 $1.000000000e+00;
	s3 =	sadd.s32 s3, s5;
	s4 =	smax.u32 s4, $0x1;
	s5 =	simm.s32 $0x1  }
.LBB2_1:
0x8: {  	s7 =	simm.s32 $0x40;
	s8 =	simm.s32 $0x0  }
.LBB2_2:
0x9: {  	p0 =	sne.s32 s7, $0x18C0;
	[tilespmem:s8+$0x0] =	vst v0;
	s8 =	smov.u32 s7;
	s7 =	sadd.s32 $0x40, s7  }
.Ltmp0:
0xa: {  	(pc) =	sbr.rel @p0 .LBB2_2-.Ltmp0, $2  }
0xb: {  	_ =	sdelay $0x2  }
0xc: {  	s8 =	sshra.s32 s8, $0x2  }
0xd: {  	s6 =	sadd.s32 $0x1, s6  }
0xe: {  	p0 =	sne.s32 s6, s4  }
.Ltmp1:
0xf: {  	[tilespmem:s8+$0x0] =	vst v0;
	(pc) =	sbr.rel @p0 .LBB2_1-.Ltmp1, $4  }
0x10: {  	[hbm4b:s3+s2] =	stream.linear.scatter [tilespmem:s2], [sflag:$0x1], $0x640, $0x38;
	[tilespmem:$0x680] =	vst v63  }
0x11: {  	_ =	swait.ge [sflag:s5], $0x640  }
0x12: {  	[sflag:s5] =	ssyncset.done $0x0  }
0x13: {  	[sflag:s5] =	ssyncadd.s32 $0xFFFFF9C0  }
0x14: {  	_ =	sfence.sel $0x180000  }
0x15: {  	[bflag:$0x0] =	sbarrier.arrive $0xFFFF  }
0x16: {  	p0 =	sne.s32 s0, $0x0;
	_ =	strace $0x90000047  }
0x17: {  	s0 =	sadd.s32 @!p0 $0x100000, s1;
	[bflag:$0x2] =	sbarrier.arrive $0xFFFF  }
0x18: {  	[sflag:s0] =	ssyncadd.tile.s32 @!p0 $0x1;
	_ =	shalt  }
.Lfunc_end2:
_tile_overlayer_lowered:
.L_overlay_start_2:
0x19: {  	(tag) =	ssettag $0x2  }
0x1a: {  	s0 =	rddreg [dreg:$0x0];
	s2 =	stileid.u32  }
0x1b: {  	s1 =	rddreg [dreg:$0x1];
	p0 =	sne.s32 s2, $0x0  }
0x1c: {  	s3 =	rddreg [dreg:$0x2];
	[bflag:$0x3] =	sbarrier.arrive $0xFFFF;
	s2 =	simm.s32 @!p0 $0x1C01  }
0x1d: {  	[timem:s3], [sflag:s2] =	dma.local @!p0 [hbm:s0], s1  }
0x1e: {  	s0 =	simm.s32 @!p0 $0x1  }
0x1f: {  	_ =	swait.ge @!p0 [sflag:s0], s1  }
0x20: {  	s1 =	ssub.s32 @!p0 $0x0, s1;
	[sflag:s0] =	ssyncset.done @!p0 $0x0  }
0x21: {  	[sflag:s0] =	ssyncadd.s32 @!p0 s1  }
0x22: {  	[bflag:$0x3] =	sbarrier.arrive $0xFFFF  }
0x23: {  	_ =	shalt  }

</sc_bundles>
